<compile_context>
chip_gen: v7x
topology: tpu7x:2x2x1
jax: 0.10.2.dev20260603
libtpu: 0.0.44.dev20260713+nightly
codegen_flags: <defaults>
</compile_context>

<pallas_src>
import functools

import jax
import jax.numpy as jnp
from jax import lax
from jax.experimental import pallas as pl
from jax.experimental.pallas import tpu as pltpu
from jax.experimental.pallas import tpu_sc as plsc

_VMEM_BIG = pltpu.CompilerParams(vmem_limit_bytes=120 * 1024 * 1024)

T = 2048
C = 1024
N_HEAD = 16
D_PAD = 128
HP = N_HEAD * D_PAD
K_KEEP = 512
QB = 256
ROPE_HALF = 32
NOPE = 32
SCALE = 1.0 / (96.0 ** 0.5)
NEG = -1e9



def _pack_qk_weights(w_nope, w_rope):
    d = w_nope.shape[0]
    nope = w_nope.reshape(d, N_HEAD, NOPE)
    rope = w_rope.reshape(d, N_HEAD, 2 * ROPE_HALF)
    real = rope[:, :, :ROPE_HALF]
    imag = rope[:, :, ROPE_HALF:]
    z = jnp.zeros_like(nope)
    a = jnp.concatenate([nope, real, imag, z], axis=-1).reshape(d, HP)
    b = jnp.concatenate([z, imag, real, z], axis=-1).reshape(d, HP)
    return a, b


def _pack_qk_weights_fused(w):
    d = w.shape[0]
    w3 = w.reshape(d, N_HEAD, NOPE + 2 * ROPE_HALF)
    return _pack_qk_weights(
        w3[:, :, :NOPE].reshape(d, N_HEAD * NOPE),
        w3[:, :, NOPE:].reshape(d, N_HEAD * 2 * ROPE_HALF),
    )


def _pack_v_weights(w):
    d = w.shape[0]
    w3 = w.reshape(d, N_HEAD, 96)
    z = jnp.zeros((d, N_HEAD, D_PAD - 96), w.dtype)
    return jnp.concatenate([w3, z], axis=-1).reshape(d, HP)


def _rope_tables(n):
    freqs = 1.0 / 10000.0 ** (jnp.arange(0, 64, 2, dtype=jnp.float32) / 64.0)
    t = jnp.arange(n, dtype=jnp.float32)
    ang = jnp.outer(t, freqs)
    cos, sin = jnp.cos(ang), jnp.sin(ang)
    one = jnp.ones_like(cos)
    zero = jnp.zeros_like(cos)
    cos_blk = jnp.concatenate([one, cos, cos, zero], axis=-1)
    sin_blk = jnp.concatenate([zero, -sin, sin, zero], axis=-1)
    return jnp.tile(cos_blk, (1, N_HEAD)), jnp.tile(sin_blk, (1, N_HEAD))



def _proj_kernel(x_ref, wcq_ref, wqa_ref, wqb_ref, wckv_ref, wka_ref, wkb_ref,
                 wv_ref, wwa_ref, wwb_ref, wwv_ref, wimp_ref, wgate_ref,
                 cos_ref, sin_ref, onec_ref,
                 q_ref, k1_ref, v1_ref, kw_ref, vw_ref, imp_ref, gate_ref):
    bf16 = jnp.bfloat16
    xb = x_ref[...]
    xb16 = xb.astype(bf16)
    cosb = cos_ref[...]
    sinb = sin_ref[...]

    def rms(v):
        return jax.lax.rsqrt(jnp.mean(v * v, axis=-1, keepdims=True) + 1e-6)

    cq = jnp.dot(xb16, wcq_ref[...], preferred_element_type=jnp.float32)
    nq = (cq * rms(cq)).astype(bf16)
    q_ref[...] = ((jnp.dot(nq, wqa_ref[...], preferred_element_type=jnp.float32) * cosb
                   + jnp.dot(nq, wqb_ref[...], preferred_element_type=jnp.float32) * sinb)
                  ).astype(bf16)

    ckv = jnp.dot(xb16, wckv_ref[...], preferred_element_type=jnp.float32)
    nkv = (ckv * rms(ckv)).astype(bf16)
    k1_ref[...] = ((jnp.dot(nkv, wka_ref[...], preferred_element_type=jnp.float32) * cosb
                    + jnp.dot(nkv, wkb_ref[...], preferred_element_type=jnp.float32) * sinb)
                   ).astype(bf16)
    onec = onec_ref[:1, :]
    v1_ref[...] = (jnp.dot(nkv, wv_ref[...], preferred_element_type=jnp.float32)
                   + onec).astype(bf16)

    kw_ref[...] = ((jnp.dot(xb16, wwa_ref[...], preferred_element_type=jnp.float32) * cosb
                    + jnp.dot(xb16, wwb_ref[...], preferred_element_type=jnp.float32) * sinb)
                   ).astype(bf16)
    vw_ref[...] = (jnp.dot(xb16, wwv_ref[...], preferred_element_type=jnp.float32)
                   + onec).astype(bf16)

    imp_ref[...] = jnp.dot(xb, wimp_ref[...], preferred_element_type=jnp.float32)
    gp = jnp.dot(xb, wgate_ref[...], preferred_element_type=jnp.float32)
    gate_ref[...] = jnp.sum(gp, axis=0, keepdims=True).reshape(1, 1, 128)



_NW = 32
_RPT = T // _NW
_VR = T // 16


def _sc_topk_kernel(imp_hbm, x_hbm, selx_hbm, cnt_hbm,
                    impf_v, keys_v, cnt_v, dest_v, dmy_v, xrows_v,
                    sem1, sem2):
    i32 = jnp.int32
    c = lax.axis_index("c")
    s = lax.axis_index("s")
    wid = s * 2 + c
    base = wid * _RPT

    xcp = pltpu.async_copy(x_hbm.at[pl.ds(base, _RPT)], xrows_v, sem2)

    pltpu.sync_copy(imp_hbm, impf_v)

    def to_keys(j, _):
        for m in range(4):
            sl = pl.ds(j * 64 + m * 16, 16)
            iv = lax.bitcast_convert_type(impf_v[sl], i32)
            keys_v[sl] = iv ^ ((iv >> 31) & jnp.int32(0x7FFFFFFF))
        return 0
    lax.fori_loop(0, _VR // 4, to_keys, 0)

    def count_ge(cand):
        def body(j, acc):
            for m in range(4):
                kv = keys_v[pl.ds(j * 64 + m * 16, 16)]
                acc = acc + jnp.where(kv >= cand, jnp.int32(1), jnp.int32(0))
            return acc
        return jnp.sum(lax.fori_loop(0, _VR // 4, body, jnp.zeros((16,), i32)))

    def count_gt(cand):
        def body(j, acc):
            for m in range(4):
                kv = keys_v[pl.ds(j * 64 + m * 16, 16)]
                acc = acc + jnp.where(kv > cand, jnp.int32(1), jnp.int32(0))
            return acc
        return jnp.sum(lax.fori_loop(0, _VR // 4, body, jnp.zeros((16,), i32)))

    t0 = jnp.where(count_ge(jnp.int32(0)) >= K_KEEP,
                   jnp.int32(0), jnp.int32(-2147483648))

    def bit_body(bi, t):
        cand = t | (jnp.int32(1) << (jnp.int32(30) - bi))
        return jnp.where(count_ge(cand) >= K_KEEP, cand, t)
    thr = lax.fori_loop(0, 31, bit_body, t0)
    quota = K_KEEP - count_gt(thr)

    def final_pass(j, carry):
        eqseen, selseen = carry
        for m in range(2):
            sl = pl.ds(j * 32 + m * 16, 16)
            kv = keys_v[sl]
            gt = kv > thr
            eq = kv == thr
            eqi = jnp.where(eq, jnp.int32(1), jnp.int32(0))
            eq_incl = plsc.cumsum(eqi)
            sel = gt | (eq & ((eqseen + eq_incl - eqi) < quota))
            seli = jnp.where(sel, jnp.int32(1), jnp.int32(0))
            sel_incl = plsc.cumsum(seli)
            cnt_v[sl] = (selseen + sel_incl).astype(jnp.float32)
            dest_v[sl] = jnp.where(
                sel, selseen + sel_incl - seli, jnp.int32(K_KEEP) + wid)
            eqseen = eqseen + jnp.sum(eqi)
            selseen = selseen + jnp.sum(seli)
        return eqseen, selseen

    lax.fori_loop(0, _VR // 2, final_pass, (jnp.int32(0), jnp.int32(0)))

    def cp_dest(m, _):
        dmy_v[pl.ds(m * 16, 16)] = dest_v[pl.ds((wid * 4 + m) * 16, 16)]
        return 0
    lax.fori_loop(0, 4, cp_dest, 0)

    pltpu.sync_copy(cnt_v.at[pl.ds(base, _RPT)], cnt_hbm.at[pl.ds(base, _RPT)])
    xcp.wait()
    pltpu.async_copy(xrows_v, selx_hbm.at[dmy_v], sem1).wait()


def _sc_topk(imp_vec, x2):
    f32 = jnp.float32
    i32 = jnp.int32
    mesh = plsc.VectorSubcoreMesh(core_axis_name="c", subcore_axis_name="s")
    fn = pl.kernel(
        _sc_topk_kernel,
        out_type=[
            jax.ShapeDtypeStruct((K_KEEP + _NW, C), f32),
            jax.ShapeDtypeStruct((T,), f32),
        ],
        mesh=mesh,
        compiler_params=pltpu.CompilerParams(needs_layout_passes=False),
        scratch_types=[
            pltpu.VMEM((T,), f32),
            pltpu.VMEM((T,), i32),
            pltpu.VMEM((T,), f32),
            pltpu.VMEM((T,), i32),
            pltpu.VMEM((_RPT,), i32),
            pltpu.VMEM((_RPT, C), f32),
            pltpu.SemaphoreType.DMA,
            pltpu.SemaphoreType.DMA,
        ],
    )
    return fn(imp_vec, x2)



def _selproj_kernel(selx_ref, wsa_ref, wsb_ref, wsv_ref,
                    cos_ref, sin_ref, onec_ref, ks_ref, vs_ref):
    sx = selx_ref[...].astype(jnp.bfloat16)
    ks_ref[...] = ((jnp.dot(sx, wsa_ref[...], preferred_element_type=jnp.float32) * cos_ref[...]
                    + jnp.dot(sx, wsb_ref[...], preferred_element_type=jnp.float32) * sin_ref[...])
                   ).astype(jnp.bfloat16)
    vs_ref[...] = (jnp.dot(sx, wsv_ref[...], preferred_element_type=jnp.float32)
                   + onec_ref[:1, :]).astype(jnp.bfloat16)



def _attn_kernel(qoff, kext, qrows,
                 q_ref, k1_ref, v1_ref, kw_ref, vw_ref, ks_ref, vs_ref,
                 cnt_ref, bw_ref, wp_ref, out_ref):
    h = pl.program_id(0)
    qv = q_ref[...]
    dims = (((1,), (1,)), ((), ()))
    f32 = jnp.float32
    bf16 = jnp.bfloat16

    row = qoff + jax.lax.broadcasted_iota(jnp.int32, (qrows, kext), 0)
    col = jax.lax.broadcasted_iota(jnp.int32, (qrows, kext), 1)
    causal = col <= row

    def causal_branch(k_ref, v_ref):
        s = jax.lax.dot_general(qv, k_ref[...], dims,
                                preferred_element_type=f32) * SCALE
        p = jnp.where(causal, jnp.exp(s), 0.0)
        o = jnp.dot(p.astype(bf16), v_ref[...], preferred_element_type=f32)
        return o, o[:, 127:128]

    o1a, l1 = causal_branch(k1_ref, v1_ref)
    o3a, l3 = causal_branch(kw_ref, vw_ref)

    cnt = cnt_ref[:, :1]
    kidx = jax.lax.broadcasted_iota(jnp.int32, (qrows, K_KEEP), 1).astype(f32)
    s2 = jax.lax.dot_general(qv, ks_ref[...], dims,
                             preferred_element_type=f32) * SCALE
    s2 = jnp.where(kidx < cnt, s2, NEG)
    m2 = jnp.max(s2, axis=-1, keepdims=True)
    p2 = jnp.exp(s2 - m2)
    o2 = jnp.dot(p2.astype(bf16), vs_ref[...], preferred_element_type=f32)
    l2 = o2[:, 127:128]

    w1 = bw_ref[:1, 0:128]
    w2 = bw_ref[:1, 128:256]
    w3 = bw_ref[:1, 256:384]
    oh = (o1a * (w1 / l1) + o2 * (w2 / l2) + o3a * (w3 / l3)).astype(bf16)
    contrib = jnp.dot(oh, wp_ref[...], preferred_element_type=f32)

    @pl.when(h == 0)
    def _():
        out_ref[...] = contrib

    @pl.when(h != 0)
    def _():
        out_ref[...] += contrib






@functools.partial(jax.jit, static_argnames=())
def kernel(x, W_cq, s_q, W_dq_nope, W_dq_rope, W_ckv, s_kv, W_dk_nope, W_dv,
           W_krope, W_imp, b_imp, W_selk, W_selv, W_wink, W_winv, W_gate,
           b_gate, W_proj):
    f32 = jnp.float32
    bf16 = jnp.bfloat16
    x2 = x.reshape(T, C).astype(f32)

    wqa, wqb = _pack_qk_weights(W_dq_nope, W_dq_rope)
    wqa, wqb = s_q[:, None] * wqa, s_q[:, None] * wqb
    wka, wkb = _pack_qk_weights(W_dk_nope, W_krope)
    wka, wkb = s_kv[:, None] * wka, s_kv[:, None] * wkb
    wv = s_kv[:, None] * _pack_v_weights(W_dv)
    wwa, wwb = _pack_qk_weights_fused(W_wink)
    wwv = _pack_v_weights(W_winv)
    wsa, wsb = _pack_qk_weights_fused(W_selk)
    wsv = _pack_v_weights(W_selv)
    wp = jnp.concatenate(
        [W_proj.reshape(N_HEAD, 96, C),
         jnp.zeros((N_HEAD, D_PAD - 96, C), f32)], axis=1).reshape(HP, C)
    wimp = jnp.concatenate([W_imp, jnp.zeros((C, 127), f32)], axis=-1)
    wgate = jnp.concatenate([W_gate, jnp.zeros((C, 125), f32)], axis=-1)
    cos_t, sin_t = _rope_tables(T)

    W_cq16, wqa, wqb = W_cq.astype(bf16), wqa.astype(bf16), wqb.astype(bf16)
    W_ckv16, wka, wkb = W_ckv.astype(bf16), wka.astype(bf16), wkb.astype(bf16)
    wv, wwa, wwb, wwv = (w.astype(bf16) for w in (wv, wwa, wwb, wwv))
    wsa, wsb, wsv, wp = (w.astype(bf16) for w in (wsa, wsb, wsv, wp))

    nblk = T // QB
    onec = jnp.broadcast_to(
        (jnp.arange(HP) % D_PAD == D_PAD - 1).astype(f32)[None, :], (8, HP))

    def full2(shape):
        return pl.BlockSpec(shape, lambda i: (0, 0))

    q, k1, v1, kw, vw, imp, gate_p = pl.pallas_call(
        _proj_kernel,
        compiler_params=_VMEM_BIG,
        grid=(nblk,),
        in_specs=[
            pl.BlockSpec((QB, C), lambda i: (i, 0)),
            full2((C, 96)), full2((96, HP)), full2((96, HP)),
            full2((C, 32)), full2((32, HP)), full2((32, HP)), full2((32, HP)),
            full2((C, HP)), full2((C, HP)), full2((C, HP)),
            full2((C, 128)), full2((C, 128)),
            pl.BlockSpec((QB, HP), lambda i: (i, 0)),
            pl.BlockSpec((QB, HP), lambda i: (i, 0)),
            full2((8, HP)),
        ],
        out_specs=[
            pl.BlockSpec((QB, HP), lambda i: (i, 0)),
            pl.BlockSpec((QB, HP), lambda i: (i, 0)),
            pl.BlockSpec((QB, HP), lambda i: (i, 0)),
            pl.BlockSpec((QB, HP), lambda i: (i, 0)),
            pl.BlockSpec((QB, HP), lambda i: (i, 0)),
            pl.BlockSpec((QB, 128), lambda i: (i, 0)),
            pl.BlockSpec((1, 1, 128), lambda i: (i, 0, 0)),
        ],
        out_shape=[
            jax.ShapeDtypeStruct((T, HP), bf16),
            jax.ShapeDtypeStruct((T, HP), bf16),
            jax.ShapeDtypeStruct((T, HP), bf16),
            jax.ShapeDtypeStruct((T, HP), bf16),
            jax.ShapeDtypeStruct((T, HP), bf16),
            jax.ShapeDtypeStruct((T, 128), f32),
            jax.ShapeDtypeStruct((nblk, 1, 128), f32),
        ],
    )(x2, W_cq16, wqa, wqb, W_ckv16, wka, wkb, wv, wwa, wwb, wwv, wimp, wgate,
      cos_t, sin_t, onec)

    glog = gate_p.reshape(nblk, 128).sum(axis=0)[:3] / T + b_gate
    bw3 = jax.nn.softmax(glog)
    bw = jnp.broadcast_to(jnp.repeat(bw3, 128)[None, :], (8, 384))

    selx_full, cnt_vec = _sc_topk(imp[:, 0], x2)
    selx = selx_full[:K_KEEP]
    cnt = jnp.broadcast_to(cnt_vec[:, None], (T, 128))

    ks, vs = pl.pallas_call(
        _selproj_kernel,
        compiler_params=_VMEM_BIG,
        grid=(1,),
        in_specs=[full2((K_KEEP, C)),
                  full2((C, HP)), full2((C, HP)), full2((C, HP)),
                  full2((K_KEEP, HP)), full2((K_KEEP, HP)), full2((8, HP))],
        out_specs=[full2((K_KEEP, HP)), full2((K_KEEP, HP))],
        out_shape=[
            jax.ShapeDtypeStruct((K_KEEP, HP), bf16),
            jax.ShapeDtypeStruct((K_KEEP, HP), bf16),
        ],
    )(selx, wsa, wsb, wsv, cos_t[:K_KEEP], sin_t[:K_KEEP], onec)

    QR = 512
    parts = []
    for qoff, kext in ((0, 512), (512, 1024), (1024, 1536), (1536, 2048)):
        qi = qoff // QR
        part = pl.pallas_call(
            functools.partial(_attn_kernel, qoff, kext, QR),
            grid=(N_HEAD,),
            in_specs=[
                pl.BlockSpec((QR, D_PAD), lambda h, qi=qi: (qi, h)),
                pl.BlockSpec((kext, D_PAD), lambda h: (0, h)),
                pl.BlockSpec((kext, D_PAD), lambda h: (0, h)),
                pl.BlockSpec((kext, D_PAD), lambda h: (0, h)),
                pl.BlockSpec((kext, D_PAD), lambda h: (0, h)),
                pl.BlockSpec((K_KEEP, D_PAD), lambda h: (0, h)),
                pl.BlockSpec((K_KEEP, D_PAD), lambda h: (0, h)),
                pl.BlockSpec((QR, 128), lambda h, qi=qi: (qi, 0)),
                pl.BlockSpec((8, 384), lambda h: (0, 0)),
                pl.BlockSpec((D_PAD, C), lambda h: (h, 0)),
            ],
            out_specs=pl.BlockSpec((QR, C), lambda h: (0, 0)),
            out_shape=jax.ShapeDtypeStruct((QR, C), f32),
        )(q, k1, v1, kw, vw, ks, vs, cnt, bw, wp)
        parts.append(part)

    return jnp.concatenate(parts, axis=0).reshape(1, T, C)

# --- scband reference (transcript-rebuilt; emitter-appended) ---
"""Pipeline reference for scband-attn-33028298506245 (READ-ONLY COPY).

The authoritative reference and input builder live on the scoring server;
editing this copy changes nothing except your own understanding.
"""

import jax, jax.numpy as jnp
import numpy as np

B, T, C = 1, 2048, 1024
n_head = 16
ctx_len = 2048
rms_eps = 1e-6
v_head_dim = 96
kv_lora_rank = 32
q_lora_rank = 3 * kv_lora_rank
rope_head_dim = 64
nope_head_dim = 32
value_dim = n_head * v_head_dim
nope_dim = n_head * nope_head_dim
rope_dim = n_head * rope_head_dim
num_tokens_to_keep = 512


def precomp_freqs_cis(dim, end, theta=10000.0):
    freqs = 1.0 / theta ** (jnp.arange(0, dim, 2, dtype=jnp.float32) / dim)
    t = jnp.arange(end, dtype=jnp.float32)
    freqs = jnp.outer(t, freqs)
    return (jnp.cos(freqs), jnp.sin(freqs))


def apply_rope(x, y, freqs_cis):
    cos_freqs, sin_freqs = freqs_cis
    seq_len = x.shape[-2]
    cos_seq = cos_freqs[:seq_len][None, None, :, :]
    sin_seq = sin_freqs[:seq_len][None, None, :, :]
    x_real, x_imag = jnp.split(x, 2, axis=-1)
    y_real, y_imag = jnp.split(y, 2, axis=-1)
    x_rot = jnp.concatenate([x_real * cos_seq - x_imag * sin_seq, x_real * sin_seq + x_imag * cos_seq], axis=-1)
    y_rot = jnp.concatenate([y_real * cos_seq - y_imag * sin_seq, y_real * sin_seq + y_imag * cos_seq], axis=-1)
    return x_rot, y_rot


def rmsnorm(x, scale, eps=rms_eps):
    rms = jnp.sqrt(jnp.mean(jnp.square(x), axis=-1, keepdims=True) + eps)
    return x / rms * scale


def setup_inputs(seed: int = 0) -> dict:
    key = jax.random.key(seed)
    ks = jax.random.split(key, 20)
    def p(k, shape):
        return jax.random.normal(k, shape, dtype=jnp.float32) * 0.02
    inp = {
        'x': jax.random.normal(ks[0], (B, T, C), dtype=jnp.float32),
        'W_cq': p(ks[1], (C, q_lora_rank)),
        's_q': jnp.ones((q_lora_rank,), jnp.float32),
        'W_dq_nope': p(ks[2], (q_lora_rank, nope_dim)),
        'W_dq_rope': p(ks[3], (q_lora_rank, rope_dim)),
        'W_ckv': p(ks[4], (C, kv_lora_rank)),
        's_kv': jnp.ones((kv_lora_rank,), jnp.float32),
        'W_dk_nope': p(ks[5], (kv_lora_rank, nope_dim)),
        'W_dv': p(ks[6], (kv_lora_rank, value_dim)),
        'W_krope': p(ks[7], (kv_lora_rank, rope_dim)),
        'W_imp': p(ks[8], (C, 1)),
        'b_imp': jnp.zeros((1,), jnp.float32),
        'W_selk': p(ks[9], (C, n_head * (rope_head_dim + nope_head_dim))),
        'W_selv': p(ks[10], (C, value_dim)),
        'W_wink': p(ks[11], (C, n_head * (rope_head_dim + nope_head_dim))),
        'W_winv': p(ks[12], (C, value_dim)),
        'W_gate': p(ks[13], (C, 3)),
        'b_gate': jnp.zeros((3,), jnp.float32),
        'W_proj': p(ks[14], (value_dim, C)),
    }
    return inp


def _forward(x, W_cq, s_q, W_dq_nope, W_dq_rope, W_ckv, s_kv, W_dk_nope, W_dv, W_krope, W_imp, b_imp, W_selk, W_selv, W_wink, W_winv, W_gate, b_gate, W_proj):
    B_, T_, C_ = x.shape
    freqs_cis = precomp_freqs_cis(rope_head_dim, ctx_len)
    # query path (low-rank compress -> norm -> decompress nope/rope)
    compressed_q = x @ W_cq
    norm_q = rmsnorm(compressed_q, s_q)
    query_nope = (norm_q @ W_dq_nope).reshape(B_, T_, n_head, nope_head_dim).transpose(0, 2, 1, 3)
    query_rope = (norm_q @ W_dq_rope).reshape(B_, T_, n_head, rope_head_dim).transpose(0, 2, 1, 3)
    q_rope, _ = apply_rope(query_rope, query_rope, freqs_cis)
    q = jnp.concatenate([query_nope, q_rope], axis=-1)
    # branch gate
    branch_weights = jax.nn.softmax((x @ W_gate + b_gate).mean(axis=1), axis=-1)
    # kv path (branch 1: full causal attention over compressed kv)
    compressed_kv = x @ W_ckv
    norm_kv = rmsnorm(compressed_kv, s_kv)
    key_nope = (norm_kv @ W_dk_nope).reshape(B_, T_, n_head, nope_head_dim).transpose(0, 2, 1, 3)
    value_1 = (norm_kv @ W_dv).reshape(B_, T_, n_head, v_head_dim).transpose(0, 2, 1, 3)
    key_rope = (norm_kv @ W_krope).reshape(B_, T_, n_head, rope_head_dim).transpose(0, 2, 1, 3)
    _, k_rope = apply_rope(key_rope, key_rope, freqs_cis)
    k1 = jnp.concatenate([key_nope, k_rope], axis=-1)
    # branch 2: importance-based sparse token selection (top-k gather)
    importance = (x @ W_imp + b_imp).squeeze(-1)
    _, idx = jax.lax.top_k(importance, min(num_tokens_to_keep, T_))
    idx = jnp.sort(idx, axis=1)
    bidx = jnp.arange(B_)[:, None]
    sel_tokens = x[bidx, idx]
    S = sel_tokens.shape[1]
    k_sel = (sel_tokens @ W_selk).reshape(B_, S, n_head, rope_head_dim + nope_head_dim).transpose(0, 2, 1, 3)
    v_sel = (sel_tokens @ W_selv).reshape(B_, S, n_head, v_head_dim).transpose(0, 2, 1, 3)
    ks_rope = k_sel[:, :, :, nope_head_dim:]
    _, ks_rope = apply_rope(ks_rope, ks_rope, freqs_cis)
    k_sel = jnp.concatenate([k_sel[:, :, :, :nope_head_dim], ks_rope], axis=-1)
    # branch 3: window attention (training path: full sequence, W = T)
    k_win = (x @ W_wink).reshape(B_, T_, n_head, rope_head_dim + nope_head_dim).transpose(0, 2, 1, 3)
    v_win = (x @ W_winv).reshape(B_, T_, n_head, v_head_dim).transpose(0, 2, 1, 3)
    kw_rope = k_win[:, :, :, nope_head_dim:]
    _, kw_rope = apply_rope(kw_rope, kw_rope, freqs_cis)
    k_win = jnp.concatenate([k_win[:, :, :, :nope_head_dim], kw_rope], axis=-1)
    scale = 1.0 / jnp.sqrt(jnp.float32(rope_head_dim + nope_head_dim))
    causal = jnp.tril(jnp.ones((T_, T_), dtype=bool))[None, None]
    def attend(qq, kk, vv, mask):
        sc = jnp.einsum('bhqd,bhkd->bhqk', qq, kk) * scale
        sc = jnp.where(mask, sc, -1e9)
        return jnp.einsum('bhqk,bhkd->bhqd', jax.nn.softmax(sc, axis=-1), vv)
    o1 = attend(q, k1, value_1, causal)
    sel_mask = idx[:, None, None, :] <= jnp.arange(T_)[None, None, :, None]
    o2 = attend(q, k_sel, v_sel, sel_mask)
    o3 = attend(q, k_win, v_win, causal)
    bw = branch_weights[:, :, None, None, None]
    out = bw[:, 0] * o1 + bw[:, 1] * o2 + bw[:, 2] * o3
    out = out.transpose(0, 2, 1, 3).reshape(B_, T_, value_dim)
    return out @ W_proj


def reference(x, W_cq, s_q, W_dq_nope, W_dq_rope, W_ckv, s_kv, W_dk_nope, W_dv, W_krope, W_imp, b_imp, W_selk, W_selv, W_wink, W_winv, W_gate, b_gate, W_proj):
    return _forward(x, W_cq, s_q, W_dq_nope, W_dq_rope, W_ckv, s_kv, W_dk_nope, W_dv, W_krope, W_imp, b_imp, W_selk, W_selv, W_wink, W_winv, W_gate, b_gate, W_proj)


if False:  # reference __main__ guard neutralized (emitter)
    out = reference(**setup_inputs())
    print(out.shape, out.dtype)

if __name__ == "__main__":
    import jax
    _d = setup_inputs()
    print(jax.jit(kernel)(*tuple(_d.values())))

</pallas_src>

<mosaic_0001>
#map = affine_map<(d0, d1) -> (0)>
#map1 = affine_map<(d0, d1) -> (0, 0)>
module attributes {stable_mosaic.version = 14 : i64} {
  func.func @_sc_topk_kernel(%arg0: i32, %arg1: i32, %arg2: memref<2048xf32, #tpu.memory_space<hbm>>, %arg3: memref<2048x1024xf32, #tpu.memory_space<hbm>>, %arg4: memref<544x1024xf32, #tpu.memory_space<hbm>>, %arg5: memref<2048xf32, #tpu.memory_space<hbm>>, %arg6: memref<2048xf32, #tpu.memory_space<vmem>>, %arg7: memref<2048xi32, #tpu.memory_space<vmem>>, %arg8: memref<2048xf32, #tpu.memory_space<vmem>>, %arg9: memref<2048xi32, #tpu.memory_space<vmem>>, %arg10: memref<64xi32, #tpu.memory_space<vmem>>, %arg11: memref<64x1024xf32, #tpu.memory_space<vmem>>, %arg12: memref<!tpu.dma_semaphore, #tpu.memory_space<semaphore_mem>>, %arg13: memref<!tpu.dma_semaphore, #tpu.memory_space<semaphore_mem>>) attributes {dimension_semantics = [#tpu.dimension_semantics<core_parallel>, #tpu.dimension_semantics<subcore_parallel>], iteration_bounds = array<i64: 2, 16>, scalar_prefetch = 0 : i64, scratch_operands = 8 : i64, tpu.core_type = #tpu.core_type<sc_vector_subcore>, window_params = [{transform_indices = #map}, {transform_indices = #map1}, {transform_indices = #map1}, {transform_indices = #map}]} {
    %mul3A = arith.constant 2 : i32
    %mul3A_0 = arith.muli %arg1, %mul3A : i32
    %add3A = arith.addi %mul3A_0, %arg0 : i32
    %mul3A_1 = arith.constant 64 : i32
    %mul3A_2 = arith.muli %add3A, %mul3A_1 : i32
    %dma_start3A = arith.constant 0 : i32
    %dma_start3A_3 = tpu.memref_slice %arg3[%mul3A_2, %dma_start3A] : memref<2048x1024xf32, #tpu.memory_space<hbm>> -> memref<64x1024xf32, #tpu.memory_space<hbm>>
    %dma_start3A_4 = arith.constant 0 : i32
    %dma_start3A_5 = tpu.memref_slice %arg3[%mul3A_2, %dma_start3A_4] : memref<2048x1024xf32, #tpu.memory_space<hbm>> -> memref<64x1024xf32, #tpu.memory_space<hbm>>
    tpu.enqueue_dma source(%dma_start3A_5 : memref<64x1024xf32, #tpu.memory_space<hbm>>) target(%arg11 : memref<64x1024xf32, #tpu.memory_space<vmem>>) target_semaphore(%arg13 : memref<!tpu.dma_semaphore, #tpu.memory_space<semaphore_mem>>)
    "tpu.region"() ({
      %run_scoped3A = tpu.sem_alloc : memref<!tpu.dma_semaphore, #tpu.memory_space<semaphore_mem>>
      tpu.enqueue_dma source(%arg2 : memref<2048xf32, #tpu.memory_space<hbm>>) target(%arg6 : memref<2048xf32, #tpu.memory_space<vmem>>) target_semaphore(%run_scoped3A : memref<!tpu.dma_semaphore, #tpu.memory_space<semaphore_mem>>)
      tpu.wait_dma2 semaphore(%run_scoped3A : memref<!tpu.dma_semaphore, #tpu.memory_space<semaphore_mem>>) src(%arg2 : memref<2048xf32, #tpu.memory_space<hbm>>) dst(%arg6 : memref<2048xf32, #tpu.memory_space<vmem>>)
      tpu.yield
    }) : () -> ()
    %scan3A = arith.constant 0 : i32
    %scan3A_6 = arith.constant 0 : i32
    %scan3A_7 = arith.constant 32 : i32
    %scan3A_8 = arith.addi %scan3A_6, %scan3A_7 : i32
    %scan3A_9 = arith.constant 1 : i32
    %scan3A_10 = scf.for %scan3A_68 = %scan3A_6 to %scan3A_8 step %scan3A_9 iter_args(%scan3A_69 = %scan3A) -> (i32)  : i32 {
      %mul3A_70 = arith.constant 64 : i32
      %mul3A_71 = arith.muli %scan3A_68, %mul3A_70 : i32
      %add3A_72 = arith.constant 0 : i32
      %add3A_73 = arith.addi %mul3A_71, %add3A_72 : i32
      %get3A = arith.index_cast %add3A_73 : i32 to index
      %get3A_74 = tpu.vector_load %arg6[%get3A] {strides = array<i32>} : memref<2048xf32, #tpu.memory_space<vmem>>, vector<16xf32>,
      %bitcast_convert_type3A = tpu.bitcast %get3A_74 : vector<16xf32> -> vector<16xi32>
      %shift_right_arithmetic3A = arith.constant 31 : i32
      %shift_right_arithmetic3A_75 = vector.broadcast %shift_right_arithmetic3A : i32 to vector<16xi32>
      %shift_right_arithmetic3A_76 = arith.shrsi %bitcast_convert_type3A, %shift_right_arithmetic3A_75 : vector<16xi32>
      %and3A = arith.constant 2147483647 : i32
      %and3A_77 = vector.broadcast %and3A : i32 to vector<16xi32>
      %and3A_78 = arith.andi %shift_right_arithmetic3A_76, %and3A_77 : vector<16xi32>
      %xor3A = arith.xori %bitcast_convert_type3A, %and3A_78 : vector<16xi32>
      %swap3A = arith.index_cast %add3A_73 : i32 to index
      %swap3A_79 = tpu.vector_load %arg7[%swap3A] {strides = array<i32>} : memref<2048xi32, #tpu.memory_space<vmem>>, vector<16xi32>,
      tpu.vector_store %arg7[%swap3A], %xor3A {strides = array<i32>} : memref<2048xi32, #tpu.memory_space<vmem>>, vector<16xi32>,
      %mul3A_80 = arith.constant 64 : i32
      %mul3A_81 = arith.muli %scan3A_68, %mul3A_80 : i32
      %add3A_82 = arith.constant 16 : i32
      %add3A_83 = arith.addi %mul3A_81, %add3A_82 : i32
      %get3A_84 = arith.index_cast %add3A_83 : i32 to index
      %get3A_85 = tpu.vector_load %arg6[%get3A_84] {strides = array<i32>} : memref<2048xf32, #tpu.memory_space<vmem>>, vector<16xf32>,
      %bitcast_convert_type3A_86 = tpu.bitcast %get3A_85 : vector<16xf32> -> vector<16xi32>
      %shift_right_arithmetic3A_87 = arith.constant 31 : i32
      %shift_right_arithmetic3A_88 = vector.broadcast %shift_right_arithmetic3A_87 : i32 to vector<16xi32>
      %shift_right_arithmetic3A_89 = arith.shrsi %bitcast_convert_type3A_86, %shift_right_arithmetic3A_88 : vector<16xi32>
      %and3A_90 = arith.constant 2147483647 : i32
      %and3A_91 = vector.broadcast %and3A_90 : i32 to vector<16xi32>
      %and3A_92 = arith.andi %shift_right_arithmetic3A_89, %and3A_91 : vector<16xi32>
      %xor3A_93 = arith.xori %bitcast_convert_type3A_86, %and3A_92 : vector<16xi32>
      %swap3A_94 = arith.index_cast %add3A_83 : i32 to index
      %swap3A_95 = tpu.vector_load %arg7[%swap3A_94] {strides = array<i32>} : memref<2048xi32, #tpu.memory_space<vmem>>, vector<16xi32>,
      tpu.vector_store %arg7[%swap3A_94], %xor3A_93 {strides = array<i32>} : memref<2048xi32, #tpu.memory_space<vmem>>, vector<16xi32>,
      %mul3A_96 = arith.constant 64 : i32
      %mul3A_97 = arith.muli %scan3A_68, %mul3A_96 : i32
      %add3A_98 = arith.constant 32 : i32
      %add3A_99 = arith.addi %mul3A_97, %add3A_98 : i32
      %get3A_100 = arith.index_cast %add3A_99 : i32 to index
      %get3A_101 = tpu.vector_load %arg6[%get3A_100] {strides = array<i32>} : memref<2048xf32, #tpu.memory_space<vmem>>, vector<16xf32>,
      %bitcast_convert_type3A_102 = tpu.bitcast %get3A_101 : vector<16xf32> -> vector<16xi32>
      %shift_right_arithmetic3A_103 = arith.constant 31 : i32
      %shift_right_arithmetic3A_104 = vector.broadcast %shift_right_arithmetic3A_103 : i32 to vector<16xi32>
      %shift_right_arithmetic3A_105 = arith.shrsi %bitcast_convert_type3A_102, %shift_right_arithmetic3A_104 : vector<16xi32>
      %and3A_106 = arith.constant 2147483647 : i32
      %and3A_107 = vector.broadcast %and3A_106 : i32 to vector<16xi32>
      %and3A_108 = arith.andi %shift_right_arithmetic3A_105, %and3A_107 : vector<16xi32>
      %xor3A_109 = arith.xori %bitcast_convert_type3A_102, %and3A_108 : vector<16xi32>
      %swap3A_110 = arith.index_cast %add3A_99 : i32 to index
      %swap3A_111 = tpu.vector_load %arg7[%swap3A_110] {strides = array<i32>} : memref<2048xi32, #tpu.memory_space<vmem>>, vector<16xi32>,
      tpu.vector_store %arg7[%swap3A_110], %xor3A_109 {strides = array<i32>} : memref<2048xi32, #tpu.memory_space<vmem>>, vector<16xi32>,
      %mul3A_112 = arith.constant 64 : i32
      %mul3A_113 = arith.muli %scan3A_68, %mul3A_112 : i32
      %add3A_114 = arith.constant 48 : i32
      %add3A_115 = arith.addi %mul3A_113, %add3A_114 : i32
      %get3A_116 = arith.index_cast %add3A_115 : i32 to index
      %get3A_117 = tpu.vector_load %arg6[%get3A_116] {strides = array<i32>} : memref<2048xf32, #tpu.memory_space<vmem>>, vector<16xf32>,
      %bitcast_convert_type3A_118 = tpu.bitcast %get3A_117 : vector<16xf32> -> vector<16xi32>
      %shift_right_arithmetic3A_119 = arith.constant 31 : i32
      %shift_right_arithmetic3A_120 = vector.broadcast %shift_right_arithmetic3A_119 : i32 to vector<16xi32>
      %shift_right_arithmetic3A_121 = arith.shrsi %bitcast_convert_type3A_118, %shift_right_arithmetic3A_120 : vector<16xi32>
      %and3A_122 = arith.constant 2147483647 : i32
      %and3A_123 = vector.broadcast %and3A_122 : i32 to vector<16xi32>
      %and3A_124 = arith.andi %shift_right_arithmetic3A_121, %and3A_123 : vector<16xi32>
      %xor3A_125 = arith.xori %bitcast_convert_type3A_118, %and3A_124 : vector<16xi32>
      %swap3A_126 = arith.index_cast %add3A_115 : i32 to index
      %swap3A_127 = tpu.vector_load %arg7[%swap3A_126] {strides = array<i32>} : memref<2048xi32, #tpu.memory_space<vmem>>, vector<16xi32>,
      tpu.vector_store %arg7[%swap3A_126], %xor3A_125 {strides = array<i32>} : memref<2048xi32, #tpu.memory_space<vmem>>, vector<16xi32>,
      %scan3A_128 = arith.constant 0 : i32
      scf.yield %scan3A_128 : i32
    }
    %scan3A_11 = arith.constant 32 : i32
    %broadcast_in_dim3A = arith.constant 0 : i32
    %broadcast_in_dim3A_12 = vector.broadcast %broadcast_in_dim3A : i32 to vector<16xi32>
    %scan3A_13 = arith.constant 0 : i32
    %scan3A_14 = arith.constant 0 : i32
    %scan3A_15 = arith.constant 32 : i32
    %scan3A_16 = arith.addi %scan3A_14, %scan3A_15 : i32
    %scan3A_17 = arith.constant 1 : i32
    %scan3A_18 = scf.for %scan3A_68 = %scan3A_14 to %scan3A_16 step %scan3A_17 iter_args(%scan3A_69 = %broadcast_in_dim3A_12) -> (vector<16xi32>)  : i32 {
      %mul3A_70 = arith.constant 64 : i32
      %mul3A_71 = arith.muli %scan3A_68, %mul3A_70 : i32
      %add3A_72 = arith.constant 0 : i32
      %add3A_73 = arith.addi %mul3A_71, %add3A_72 : i32
      %get3A = arith.index_cast %add3A_73 : i32 to index
      %get3A_74 = tpu.vector_load %arg7[%get3A] {strides = array<i32>} : memref<2048xi32, #tpu.memory_space<vmem>>, vector<16xi32>,
      %ge3A_75 = vector.broadcast %scan3A_13 : i32 to vector<16xi32>
      %ge3A_76 = arith.cmpi sge, %get3A_74, %ge3A_75 : vector<16xi32>
      %jit3A_77 = arith.constant 1 : i32
      %jit3A_78 = arith.constant 0 : i32
      %broadcast_in_dim3A_79 = vector.broadcast %jit3A_77 : i32 to vector<16xi32>
      %broadcast_in_dim3A_80 = vector.broadcast %jit3A_78 : i32 to vector<16xi32>
      %select_n3A_81 = arith.select %ge3A_76, %broadcast_in_dim3A_79, %broadcast_in_dim3A_80 : vector<16xi1>, vector<16xi32>
      %add3A_82 = arith.addi %scan3A_69, %select_n3A_81 : vector<16xi32>
      %mul3A_83 = arith.constant 64 : i32
      %mul3A_84 = arith.muli %scan3A_68, %mul3A_83 : i32
      %add3A_85 = arith.constant 16 : i32
      %add3A_86 = arith.addi %mul3A_84, %add3A_85 : i32
      %get3A_87 = arith.index_cast %add3A_86 : i32 to index
      %get3A_88 = tpu.vector_load %arg7[%get3A_87] {strides = array<i32>} : memref<2048xi32, #tpu.memory_space<vmem>>, vector<16xi32>,
      %ge3A_89 = vector.broadcast %scan3A_13 : i32 to vector<16xi32>
      %ge3A_90 = arith.cmpi sge, %get3A_88, %ge3A_89 : vector<16xi32>
      %jit3A_91 = arith.constant 1 : i32
      %jit3A_92 = arith.constant 0 : i32
      %broadcast_in_dim3A_93 = vector.broadcast %jit3A_91 : i32 to vector<16xi32>
      %broadcast_in_dim3A_94 = vector.broadcast %jit3A_92 : i32 to vector<16xi32>
      %select_n3A_95 = arith.select %ge3A_90, %broadcast_in_dim3A_93, %broadcast_in_dim3A_94 : vector<16xi1>, vector<16xi32>
      %add3A_96 = arith.addi %add3A_82, %select_n3A_95 : vector<16xi32>
      %mul3A_97 = arith.constant 64 : i32
      %mul3A_98 = arith.muli %scan3A_68, %mul3A_97 : i32
      %add3A_99 = arith.constant 32 : i32
      %add3A_100 = arith.addi %mul3A_98, %add3A_99 : i32
      %get3A_101 = arith.index_cast %add3A_100 : i32 to index
      %get3A_102 = tpu.vector_load %arg7[%get3A_101] {strides = array<i32>} : memref<2048xi32, #tpu.memory_space<vmem>>, vector<16xi32>,
      %ge3A_103 = vector.broadcast %scan3A_13 : i32 to vector<16xi32>
      %ge3A_104 = arith.cmpi sge, %get3A_102, %ge3A_103 : vector<16xi32>
      %jit3A_105 = arith.constant 1 : i32
      %jit3A_106 = arith.constant 0 : i32
      %broadcast_in_dim3A_107 = vector.broadcast %jit3A_105 : i32 to vector<16xi32>
      %broadcast_in_dim3A_108 = vector.broadcast %jit3A_106 : i32 to vector<16xi32>
      %select_n3A_109 = arith.select %ge3A_104, %broadcast_in_dim3A_107, %broadcast_in_dim3A_108 : vector<16xi1>, vector<16xi32>
      %add3A_110 = arith.addi %add3A_96, %select_n3A_109 : vector<16xi32>
      %mul3A_111 = arith.constant 64 : i32
      %mul3A_112 = arith.muli %scan3A_68, %mul3A_111 : i32
      %add3A_113 = arith.constant 48 : i32
      %add3A_114 = arith.addi %mul3A_112, %add3A_113 : i32
      %get3A_115 = arith.index_cast %add3A_114 : i32 to index
      %get3A_116 = tpu.vector_load %arg7[%get3A_115] {strides = array<i32>} : memref<2048xi32, #tpu.memory_space<vmem>>, vector<16xi32>,
      %ge3A_117 = vector.broadcast %scan3A_13 : i32 to vector<16xi32>
      %ge3A_118 = arith.cmpi sge, %get3A_116, %ge3A_117 : vector<16xi32>
      %jit3A_119 = arith.constant 1 : i32
      %jit3A_120 = arith.constant 0 : i32
      %broadcast_in_dim3A_121 = vector.broadcast %jit3A_119 : i32 to vector<16xi32>
      %broadcast_in_dim3A_122 = vector.broadcast %jit3A_120 : i32 to vector<16xi32>
      %select_n3A_123 = arith.select %ge3A_118, %broadcast_in_dim3A_121, %broadcast_in_dim3A_122 : vector<16xi1>, vector<16xi32>
      %add3A_124 = arith.addi %add3A_110, %select_n3A_123 : vector<16xi32>
      scf.yield %add3A_124 : vector<16xi32>
    }
    %scan3A_19 = arith.constant 32 : i32
    %reduce_sum3A = arith.constant true
    %reduce_sum3A_20 = vector.broadcast %reduce_sum3A : i1 to vector<16xi1>
    %reduce_sum3A_21 = tpu.scan <sum>, %scan3A_18 masked %reduce_sum3A_20 : vector<16xi32>, vector<16xi1> -> vector<16xi32>
    %reduce_sum3A_22 = vector.extract %reduce_sum3A_21[15] : i32 from vector<16xi32>
    %ge3A = arith.constant 512 : i32
    %ge3A_23 = arith.cmpi sge, %reduce_sum3A_22, %ge3A : i32
    %jit3A = arith.constant 0 : i32
    %jit3A_24 = arith.constant -2147483648 : i32
    %select_n3A = arith.select %ge3A_23, %jit3A, %jit3A_24 : i32
    %scan3A_25 = arith.constant 0 : i32
    %scan3A_26 = arith.constant 31 : i32
    %scan3A_27 = arith.addi %scan3A_25, %scan3A_26 : i32
    %scan3A_28 = arith.constant 1 : i32
    %scan3A_29 = scf.for %scan3A_68 = %scan3A_25 to %scan3A_27 step %scan3A_28 iter_args(%scan3A_69 = %select_n3A) -> (i32)  : i32 {
      %sub3A_70 = arith.constant 30 : i32
      %sub3A_71 = arith.subi %sub3A_70, %scan3A_68 : i32
      %shift_left3A = arith.constant 1 : i32
      %shift_left3A_72 = arith.shli %shift_left3A, %sub3A_71 : i32
      %or3A = arith.ori %scan3A_69, %shift_left3A_72 : i32
      %broadcast_in_dim3A_73 = arith.constant 0 : i32
      %broadcast_in_dim3A_74 = vector.broadcast %broadcast_in_dim3A_73 : i32 to vector<16xi32>
      %scan3A_75 = arith.constant 0 : i32
      %scan3A_76 = arith.constant 32 : i32
      %scan3A_77 = arith.addi %scan3A_75, %scan3A_76 : i32
      %scan3A_78 = arith.constant 1 : i32
      %scan3A_79 = scf.for %scan3A_88 = %scan3A_75 to %scan3A_77 step %scan3A_78 iter_args(%scan3A_89 = %broadcast_in_dim3A_74) -> (vector<16xi32>)  : i32 {
        %mul3A_90 = arith.constant 64 : i32
        %mul3A_91 = arith.muli %scan3A_88, %mul3A_90 : i32
        %add3A_92 = arith.constant 0 : i32
        %add3A_93 = arith.addi %mul3A_91, %add3A_92 : i32
        %get3A = arith.index_cast %add3A_93 : i32 to index
        %get3A_94 = tpu.vector_load %arg7[%get3A] {strides = array<i32>} : memref<2048xi32, #tpu.memory_space<vmem>>, vector<16xi32>,
        %ge3A_95 = vector.broadcast %or3A : i32 to vector<16xi32>
        %ge3A_96 = arith.cmpi sge, %get3A_94, %ge3A_95 : vector<16xi32>
        %jit3A_97 = arith.constant 1 : i32
        %jit3A_98 = arith.constant 0 : i32
        %broadcast_in_dim3A_99 = vector.broadcast %jit3A_97 : i32 to vector<16xi32>
        %broadcast_in_dim3A_100 = vector.broadcast %jit3A_98 : i32 to vector<16xi32>
        %select_n3A_101 = arith.select %ge3A_96, %broadcast_in_dim3A_99, %broadcast_in_dim3A_100 : vector<16xi1>, vector<16xi32>
        %add3A_102 = arith.addi %scan3A_89, %select_n3A_101 : vector<16xi32>
        %mul3A_103 = arith.constant 64 : i32
        %mul3A_104 = arith.muli %scan3A_88, %mul3A_103 : i32
        %add3A_105 = arith.constant 16 : i32
        %add3A_106 = arith.addi %mul3A_104, %add3A_105 : i32
        %get3A_107 = arith.index_cast %add3A_106 : i32 to index
        %get3A_108 = tpu.vector_load %arg7[%get3A_107] {strides = array<i32>} : memref<2048xi32, #tpu.memory_space<vmem>>, vector<16xi32>,
        %ge3A_109 = vector.broadcast %or3A : i32 to vector<16xi32>
        %ge3A_110 = arith.cmpi sge, %get3A_108, %ge3A_109 : vector<16xi32>
        %jit3A_111 = arith.constant 1 : i32
        %jit3A_112 = arith.constant 0 : i32
        %broadcast_in_dim3A_113 = vector.broadcast %jit3A_111 : i32 to vector<16xi32>
        %broadcast_in_dim3A_114 = vector.broadcast %jit3A_112 : i32 to vector<16xi32>
        %select_n3A_115 = arith.select %ge3A_110, %broadcast_in_dim3A_113, %broadcast_in_dim3A_114 : vector<16xi1>, vector<16xi32>
        %add3A_116 = arith.addi %add3A_102, %select_n3A_115 : vector<16xi32>
        %mul3A_117 = arith.constant 64 : i32
        %mul3A_118 = arith.muli %scan3A_88, %mul3A_117 : i32
        %add3A_119 = arith.constant 32 : i32
        %add3A_120 = arith.addi %mul3A_118, %add3A_119 : i32
        %get3A_121 = arith.index_cast %add3A_120 : i32 to index
        %get3A_122 = tpu.vector_load %arg7[%get3A_121] {strides = array<i32>} : memref<2048xi32, #tpu.memory_space<vmem>>, vector<16xi32>,
        %ge3A_123 = vector.broadcast %or3A : i32 to vector<16xi32>
        %ge3A_124 = arith.cmpi sge, %get3A_122, %ge3A_123 : vector<16xi32>
        %jit3A_125 = arith.constant 1 : i32
        %jit3A_126 = arith.constant 0 : i32
        %broadcast_in_dim3A_127 = vector.broadcast %jit3A_125 : i32 to vector<16xi32>
        %broadcast_in_dim3A_128 = vector.broadcast %jit3A_126 : i32 to vector<16xi32>
        %select_n3A_129 = arith.select %ge3A_124, %broadcast_in_dim3A_127, %broadcast_in_dim3A_128 : vector<16xi1>, vector<16xi32>
        %add3A_130 = arith.addi %add3A_116, %select_n3A_129 : vector<16xi32>
        %mul3A_131 = arith.constant 64 : i32
        %mul3A_132 = arith.muli %scan3A_88, %mul3A_131 : i32
        %add3A_133 = arith.constant 48 : i32
        %add3A_134 = arith.addi %mul3A_132, %add3A_133 : i32
        %get3A_135 = arith.index_cast %add3A_134 : i32 to index
        %get3A_136 = tpu.vector_load %arg7[%get3A_135] {strides = array<i32>} : memref<2048xi32, #tpu.memory_space<vmem>>, vector<16xi32>,
        %ge3A_137 = vector.broadcast %or3A : i32 to vector<16xi32>
        %ge3A_138 = arith.cmpi sge, %get3A_136, %ge3A_137 : vector<16xi32>
        %jit3A_139 = arith.constant 1 : i32
        %jit3A_140 = arith.constant 0 : i32
        %broadcast_in_dim3A_141 = vector.broadcast %jit3A_139 : i32 to vector<16xi32>
        %broadcast_in_dim3A_142 = vector.broadcast %jit3A_140 : i32 to vector<16xi32>
        %select_n3A_143 = arith.select %ge3A_138, %broadcast_in_dim3A_141, %broadcast_in_dim3A_142 : vector<16xi1>, vector<16xi32>
        %add3A_144 = arith.addi %add3A_130, %select_n3A_143 : vector<16xi32>
        scf.yield %add3A_144 : vector<16xi32>
      }
      %scan3A_80 = arith.constant 32 : i32
      %reduce_sum3A_81 = arith.constant true
      %reduce_sum3A_82 = vector.broadcast %reduce_sum3A_81 : i1 to vector<16xi1>
      %reduce_sum3A_83 = tpu.scan <sum>, %scan3A_79 masked %reduce_sum3A_82 : vector<16xi32>, vector<16xi1> -> vector<16xi32>
      %reduce_sum3A_84 = vector.extract %reduce_sum3A_83[15] : i32 from vector<16xi32>
      %ge3A_85 = arith.constant 512 : i32
      %ge3A_86 = arith.cmpi sge, %reduce_sum3A_84, %ge3A_85 : i32
      %select_n3A_87 = arith.select %ge3A_86, %or3A, %scan3A_69 : i32
      scf.yield %select_n3A_87 : i32
    }
    %scan3A_30 = arith.constant 31 : i32
    %broadcast_in_dim3A_31 = arith.constant 0 : i32
    %broadcast_in_dim3A_32 = vector.broadcast %broadcast_in_dim3A_31 : i32 to vector<16xi32>
    %scan3A_33 = arith.constant 0 : i32
    %scan3A_34 = arith.constant 32 : i32
    %scan3A_35 = arith.addi %scan3A_33, %scan3A_34 : i32
    %scan3A_36 = arith.constant 1 : i32
    %scan3A_37 = scf.for %scan3A_68 = %scan3A_33 to %scan3A_35 step %scan3A_36 iter_args(%scan3A_69 = %broadcast_in_dim3A_32) -> (vector<16xi32>)  : i32 {
      %mul3A_70 = arith.constant 64 : i32
      %mul3A_71 = arith.muli %scan3A_68, %mul3A_70 : i32
      %add3A_72 = arith.constant 0 : i32
      %add3A_73 = arith.addi %mul3A_71, %add3A_72 : i32
      %get3A = arith.index_cast %add3A_73 : i32 to index
      %get3A_74 = tpu.vector_load %arg7[%get3A] {strides = array<i32>} : memref<2048xi32, #tpu.memory_space<vmem>>, vector<16xi32>,
      %gt3A = vector.broadcast %scan3A_29 : i32 to vector<16xi32>
      %gt3A_75 = arith.cmpi sgt, %get3A_74, %gt3A : vector<16xi32>
      %jit3A_76 = arith.constant 1 : i32
      %jit3A_77 = arith.constant 0 : i32
      %broadcast_in_dim3A_78 = vector.broadcast %jit3A_76 : i32 to vector<16xi32>
      %broadcast_in_dim3A_79 = vector.broadcast %jit3A_77 : i32 to vector<16xi32>
      %select_n3A_80 = arith.select %gt3A_75, %broadcast_in_dim3A_78, %broadcast_in_dim3A_79 : vector<16xi1>, vector<16xi32>
      %add3A_81 = arith.addi %scan3A_69, %select_n3A_80 : vector<16xi32>
      %mul3A_82 = arith.constant 64 : i32
      %mul3A_83 = arith.muli %scan3A_68, %mul3A_82 : i32
      %add3A_84 = arith.constant 16 : i32
      %add3A_85 = arith.addi %mul3A_83, %add3A_84 : i32
      %get3A_86 = arith.index_cast %add3A_85 : i32 to index
      %get3A_87 = tpu.vector_load %arg7[%get3A_86] {strides = array<i32>} : memref<2048xi32, #tpu.memory_space<vmem>>, vector<16xi32>,
      %gt3A_88 = vector.broadcast %scan3A_29 : i32 to vector<16xi32>
      %gt3A_89 = arith.cmpi sgt, %get3A_87, %gt3A_88 : vector<16xi32>
      %jit3A_90 = arith.constant 1 : i32
      %jit3A_91 = arith.constant 0 : i32
      %broadcast_in_dim3A_92 = vector.broadcast %jit3A_90 : i32 to vector<16xi32>
      %broadcast_in_dim3A_93 = vector.broadcast %jit3A_91 : i32 to vector<16xi32>
      %select_n3A_94 = arith.select %gt3A_89, %broadcast_in_dim3A_92, %broadcast_in_dim3A_93 : vector<16xi1>, vector<16xi32>
      %add3A_95 = arith.addi %add3A_81, %select_n3A_94 : vector<16xi32>
      %mul3A_96 = arith.constant 64 : i32
      %mul3A_97 = arith.muli %scan3A_68, %mul3A_96 : i32
      %add3A_98 = arith.constant 32 : i32
      %add3A_99 = arith.addi %mul3A_97, %add3A_98 : i32
      %get3A_100 = arith.index_cast %add3A_99 : i32 to index
      %get3A_101 = tpu.vector_load %arg7[%get3A_100] {strides = array<i32>} : memref<2048xi32, #tpu.memory_space<vmem>>, vector<16xi32>,
      %gt3A_102 = vector.broadcast %scan3A_29 : i32 to vector<16xi32>
      %gt3A_103 = arith.cmpi sgt, %get3A_101, %gt3A_102 : vector<16xi32>
      %jit3A_104 = arith.constant 1 : i32
      %jit3A_105 = arith.constant 0 : i32
      %broadcast_in_dim3A_106 = vector.broadcast %jit3A_104 : i32 to vector<16xi32>
      %broadcast_in_dim3A_107 = vector.broadcast %jit3A_105 : i32 to vector<16xi32>
      %select_n3A_108 = arith.select %gt3A_103, %broadcast_in_dim3A_106, %broadcast_in_dim3A_107 : vector<16xi1>, vector<16xi32>
      %add3A_109 = arith.addi %add3A_95, %select_n3A_108 : vector<16xi32>
      %mul3A_110 = arith.constant 64 : i32
      %mul3A_111 = arith.muli %scan3A_68, %mul3A_110 : i32
      %add3A_112 = arith.constant 48 : i32
      %add3A_113 = arith.addi %mul3A_111, %add3A_112 : i32
      %get3A_114 = arith.index_cast %add3A_113 : i32 to index
      %get3A_115 = tpu.vector_load %arg7[%get3A_114] {strides = array<i32>} : memref<2048xi32, #tpu.memory_space<vmem>>, vector<16xi32>,
      %gt3A_116 = vector.broadcast %scan3A_29 : i32 to vector<16xi32>
      %gt3A_117 = arith.cmpi sgt, %get3A_115, %gt3A_116 : vector<16xi32>
      %jit3A_118 = arith.constant 1 : i32
      %jit3A_119 = arith.constant 0 : i32
      %broadcast_in_dim3A_120 = vector.broadcast %jit3A_118 : i32 to vector<16xi32>
      %broadcast_in_dim3A_121 = vector.broadcast %jit3A_119 : i32 to vector<16xi32>
      %select_n3A_122 = arith.select %gt3A_117, %broadcast_in_dim3A_120, %broadcast_in_dim3A_121 : vector<16xi1>, vector<16xi32>
      %add3A_123 = arith.addi %add3A_109, %select_n3A_122 : vector<16xi32>
      scf.yield %add3A_123 : vector<16xi32>
    }
    %scan3A_38 = arith.constant 32 : i32
    %reduce_sum3A_39 = arith.constant true
    %reduce_sum3A_40 = vector.broadcast %reduce_sum3A_39 : i1 to vector<16xi1>
    %reduce_sum3A_41 = tpu.scan <sum>, %scan3A_37 masked %reduce_sum3A_40 : vector<16xi32>, vector<16xi1> -> vector<16xi32>
    %reduce_sum3A_42 = vector.extract %reduce_sum3A_41[15] : i32 from vector<16xi32>
    %sub3A = arith.constant 512 : i32
    %sub3A_43 = arith.subi %sub3A, %reduce_sum3A_42 : i32
    %scan3A_44 = arith.constant 0 : i32
    %scan3A_45 = arith.constant 0 : i32
    %scan3A_46 = arith.constant 0 : i32
    %scan3A_47 = arith.constant 64 : i32
    %scan3A_48 = arith.addi %scan3A_46, %scan3A_47 : i32
    %scan3A_49 = arith.constant 1 : i32
    %scan3A_50:2 = scf.for %scan3A_68 = %scan3A_46 to %scan3A_48 step %scan3A_49 iter_args(%scan3A_69 = %scan3A_44, %scan3A_70 = %scan3A_45) -> (i32, i32)  : i32 {
      %mul3A_71 = arith.constant 32 : i32
      %mul3A_72 = arith.muli %scan3A_68, %mul3A_71 : i32
      %add3A_73 = arith.constant 0 : i32
      %add3A_74 = arith.addi %mul3A_72, %add3A_73 : i32
      %get3A = arith.index_cast %add3A_74 : i32 to index
      %get3A_75 = tpu.vector_load %arg7[%get3A] {strides = array<i32>} : memref<2048xi32, #tpu.memory_space<vmem>>, vector<16xi32>,
      %gt3A = vector.broadcast %scan3A_29 : i32 to vector<16xi32>
      %gt3A_76 = arith.cmpi sgt, %get3A_75, %gt3A : vector<16xi32>
      %eq3A = vector.broadcast %scan3A_29 : i32 to vector<16xi32>
      %eq3A_77 = arith.cmpi eq, %get3A_75, %eq3A : vector<16xi32>
      %jit3A_78 = arith.constant 1 : i32
      %jit3A_79 = arith.constant 0 : i32
      %broadcast_in_dim3A_80 = vector.broadcast %jit3A_78 : i32 to vector<16xi32>
      %broadcast_in_dim3A_81 = vector.broadcast %jit3A_79 : i32 to vector<16xi32>
      %select_n3A_82 = arith.select %eq3A_77, %broadcast_in_dim3A_80, %broadcast_in_dim3A_81 : vector<16xi1>, vector<16xi32>
      %broadcast_in_dim3A_83 = arith.constant true
      %broadcast_in_dim3A_84 = vector.broadcast %broadcast_in_dim3A_83 : i1 to vector<16xi1>
      %masked_cumsum3A = tpu.scan <sum>, %select_n3A_82 masked %broadcast_in_dim3A_84 : vector<16xi32>, vector<16xi1> -> vector<16xi32>
      %add3A_85 = vector.broadcast %scan3A_69 : i32 to vector<16xi32>
      %add3A_86 = arith.addi %add3A_85, %masked_cumsum3A : vector<16xi32>
      %sub3A_87 = arith.subi %add3A_86, %select_n3A_82 : vector<16xi32>
      %lt3A = vector.broadcast %sub3A_43 : i32 to vector<16xi32>
      %lt3A_88 = arith.cmpi slt, %sub3A_87, %lt3A : vector<16xi32>
      %and3A = arith.andi %eq3A_77, %lt3A_88 : vector<16xi1>
      %or3A = arith.ori %gt3A_76, %and3A : vector<16xi1>
      %jit3A_89 = arith.constant 1 : i32
      %jit3A_90 = arith.constant 0 : i32
      %broadcast_in_dim3A_91 = vector.broadcast %jit3A_89 : i32 to vector<16xi32>
      %broadcast_in_dim3A_92 = vector.broadcast %jit3A_90 : i32 to vector<16xi32>
      %select_n3A_93 = arith.select %or3A, %broadcast_in_dim3A_91, %broadcast_in_dim3A_92 : vector<16xi1>, vector<16xi32>
      %broadcast_in_dim3A_94 = arith.constant true
      %broadcast_in_dim3A_95 = vector.broadcast %broadcast_in_dim3A_94 : i1 to vector<16xi1>
      %masked_cumsum3A_96 = tpu.scan <sum>, %select_n3A_93 masked %broadcast_in_dim3A_95 : vector<16xi32>, vector<16xi1> -> vector<16xi32>
      %add3A_97 = vector.broadcast %scan3A_70 : i32 to vector<16xi32>
      %add3A_98 = arith.addi %add3A_97, %masked_cumsum3A_96 : vector<16xi32>
      %convert_element_type3A = arith.sitofp %add3A_98 : vector<16xi32> to vector<16xf32>
      %swap3A = arith.index_cast %add3A_74 : i32 to index
      %swap3A_99 = tpu.vector_load %arg8[%swap3A] {strides = array<i32>} : memref<2048xf32, #tpu.memory_space<vmem>>, vector<16xf32>,
      tpu.vector_store %arg8[%swap3A], %convert_element_type3A {strides = array<i32>} : memref<2048xf32, #tpu.memory_space<vmem>>, vector<16xf32>,
      %add3A_100 = vector.broadcast %scan3A_70 : i32 to vector<16xi32>
      %add3A_101 = arith.addi %add3A_100, %masked_cumsum3A_96 : vector<16xi32>
      %sub3A_102 = arith.subi %add3A_101, %select_n3A_93 : vector<16xi32>
      %add3A_103 = arith.constant 512 : i32
      %add3A_104 = arith.addi %add3A_103, %add3A : i32
      %broadcast_in_dim3A_105 = vector.broadcast %add3A_104 : i32 to vector<16xi32>
      %select_n3A_106 = arith.select %or3A, %sub3A_102, %broadcast_in_dim3A_105 : vector<16xi1>, vector<16xi32>
      %swap3A_107 = arith.index_cast %add3A_74 : i32 to index
      %swap3A_108 = tpu.vector_load %arg9[%swap3A_107] {strides = array<i32>} : memref<2048xi32, #tpu.memory_space<vmem>>, vector<16xi32>,
      tpu.vector_store %arg9[%swap3A_107], %select_n3A_106 {strides = array<i32>} : memref<2048xi32, #tpu.memory_space<vmem>>, vector<16xi32>,
      %reduce_sum3A_109 = arith.constant true
      %reduce_sum3A_110 = vector.broadcast %reduce_sum3A_109 : i1 to vector<16xi1>
      %reduce_sum3A_111 = tpu.scan <sum>, %select_n3A_82 masked %reduce_sum3A_110 : vector<16xi32>, vector<16xi1> -> vector<16xi32>
      %reduce_sum3A_112 = vector.extract %reduce_sum3A_111[15] : i32 from vector<16xi32>
      %add3A_113 = arith.addi %scan3A_69, %reduce_sum3A_112 : i32
      %reduce_sum3A_114 = arith.constant true
      %reduce_sum3A_115 = vector.broadcast %reduce_sum3A_114 : i1 to vector<16xi1>
      %reduce_sum3A_116 = tpu.scan <sum>, %select_n3A_93 masked %reduce_sum3A_115 : vector<16xi32>, vector<16xi1> -> vector<16xi32>
      %reduce_sum3A_117 = vector.extract %reduce_sum3A_116[15] : i32 from vector<16xi32>
      %add3A_118 = arith.addi %scan3A_70, %reduce_sum3A_117 : i32
      %mul3A_119 = arith.constant 32 : i32
      %mul3A_120 = arith.muli %scan3A_68, %mul3A_119 : i32
      %add3A_121 = arith.constant 16 : i32
      %add3A_122 = arith.addi %mul3A_120, %add3A_121 : i32
      %get3A_123 = arith.index_cast %add3A_122 : i32 to index
      %get3A_124 = tpu.vector_load %arg7[%get3A_123] {strides = array<i32>} : memref<2048xi32, #tpu.memory_space<vmem>>, vector<16xi32>,
      %gt3A_125 = vector.broadcast %scan3A_29 : i32 to vector<16xi32>
      %gt3A_126 = arith.cmpi sgt, %get3A_124, %gt3A_125 : vector<16xi32>
      %eq3A_127 = vector.broadcast %scan3A_29 : i32 to vector<16xi32>
      %eq3A_128 = arith.cmpi eq, %get3A_124, %eq3A_127 : vector<16xi32>
      %jit3A_129 = arith.constant 1 : i32
      %jit3A_130 = arith.constant 0 : i32
      %broadcast_in_dim3A_131 = vector.broadcast %jit3A_129 : i32 to vector<16xi32>
      %broadcast_in_dim3A_132 = vector.broadcast %jit3A_130 : i32 to vector<16xi32>
      %select_n3A_133 = arith.select %eq3A_128, %broadcast_in_dim3A_131, %broadcast_in_dim3A_132 : vector<16xi1>, vector<16xi32>
      %broadcast_in_dim3A_134 = arith.constant true
      %broadcast_in_dim3A_135 = vector.broadcast %broadcast_in_dim3A_134 : i1 to vector<16xi1>
      %masked_cumsum3A_136 = tpu.scan <sum>, %select_n3A_133 masked %broadcast_in_dim3A_135 : vector<16xi32>, vector<16xi1> -> vector<16xi32>
      %add3A_137 = vector.broadcast %add3A_113 : i32 to vector<16xi32>
      %add3A_138 = arith.addi %add3A_137, %masked_cumsum3A_136 : vector<16xi32>
      %sub3A_139 = arith.subi %add3A_138, %select_n3A_133 : vector<16xi32>
      %lt3A_140 = vector.broadcast %sub3A_43 : i32 to vector<16xi32>
      %lt3A_141 = arith.cmpi slt, %sub3A_139, %lt3A_140 : vector<16xi32>
      %and3A_142 = arith.andi %eq3A_128, %lt3A_141 : vector<16xi1>
      %or3A_143 = arith.ori %gt3A_126, %and3A_142 : vector<16xi1>
      %jit3A_144 = arith.constant 1 : i32
      %jit3A_145 = arith.constant 0 : i32
      %broadcast_in_dim3A_146 = vector.broadcast %jit3A_144 : i32 to vector<16xi32>
      %broadcast_in_dim3A_147 = vector.broadcast %jit3A_145 : i32 to vector<16xi32>
      %select_n3A_148 = arith.select %or3A_143, %broadcast_in_dim3A_146, %broadcast_in_dim3A_147 : vector<16xi1>, vector<16xi32>
      %broadcast_in_dim3A_149 = arith.constant true
      %broadcast_in_dim3A_150 = vector.broadcast %broadcast_in_dim3A_149 : i1 to vector<16xi1>
      %masked_cumsum3A_151 = tpu.scan <sum>, %select_n3A_148 masked %broadcast_in_dim3A_150 : vector<16xi32>, vector<16xi1> -> vector<16xi32>
      %add3A_152 = vector.broadcast %add3A_118 : i32 to vector<16xi32>
      %add3A_153 = arith.addi %add3A_152, %masked_cumsum3A_151 : vector<16xi32>
      %convert_element_type3A_154 = arith.sitofp %add3A_153 : vector<16xi32> to vector<16xf32>
      %swap3A_155 = arith.index_cast %add3A_122 : i32 to index
      %swap3A_156 = tpu.vector_load %arg8[%swap3A_155] {strides = array<i32>} : memref<2048xf32, #tpu.memory_space<vmem>>, vector<16xf32>,
      tpu.vector_store %arg8[%swap3A_155], %convert_element_type3A_154 {strides = array<i32>} : memref<2048xf32, #tpu.memory_space<vmem>>, vector<16xf32>,
      %add3A_157 = vector.broadcast %add3A_118 : i32 to vector<16xi32>
      %add3A_158 = arith.addi %add3A_157, %masked_cumsum3A_151 : vector<16xi32>
      %sub3A_159 = arith.subi %add3A_158, %select_n3A_148 : vector<16xi32>
      %add3A_160 = arith.constant 512 : i32
      %add3A_161 = arith.addi %add3A_160, %add3A : i32
      %broadcast_in_dim3A_162 = vector.broadcast %add3A_161 : i32 to vector<16xi32>
      %select_n3A_163 = arith.select %or3A_143, %sub3A_159, %broadcast_in_dim3A_162 : vector<16xi1>, vector<16xi32>
      %swap3A_164 = arith.index_cast %add3A_122 : i32 to index
      %swap3A_165 = tpu.vector_load %arg9[%swap3A_164] {strides = array<i32>} : memref<2048xi32, #tpu.memory_space<vmem>>, vector<16xi32>,
      tpu.vector_store %arg9[%swap3A_164], %select_n3A_163 {strides = array<i32>} : memref<2048xi32, #tpu.memory_space<vmem>>, vector<16xi32>,
      %reduce_sum3A_166 = arith.constant true
      %reduce_sum3A_167 = vector.broadcast %reduce_sum3A_166 : i1 to vector<16xi1>
      %reduce_sum3A_168 = tpu.scan <sum>, %select_n3A_133 masked %reduce_sum3A_167 : vector<16xi32>, vector<16xi1> -> vector<16xi32>
      %reduce_sum3A_169 = vector.extract %reduce_sum3A_168[15] : i32 from vector<16xi32>
      %add3A_170 = arith.addi %add3A_113, %reduce_sum3A_169 : i32
      %reduce_sum3A_171 = arith.constant true
      %reduce_sum3A_172 = vector.broadcast %reduce_sum3A_171 : i1 to vector<16xi1>
      %reduce_sum3A_173 = tpu.scan <sum>, %select_n3A_148 masked %reduce_sum3A_172 : vector<16xi32>, vector<16xi1> -> vector<16xi32>
      %reduce_sum3A_174 = vector.extract %reduce_sum3A_173[15] : i32 from vector<16xi32>
      %add3A_175 = arith.addi %add3A_118, %reduce_sum3A_174 : i32
      scf.yield %add3A_170, %add3A_175 : i32, i32
    }
    %scan3A_51 = arith.constant 64 : i32
    %scan3A_52 = arith.constant 0 : i32
    %scan3A_53 = arith.constant 0 : i32
    %scan3A_54 = arith.constant 4 : i32
    %scan3A_55 = arith.addi %scan3A_53, %scan3A_54 : i32
    %scan3A_56 = arith.constant 1 : i32
    %scan3A_57 = scf.for %scan3A_68 = %scan3A_53 to %scan3A_55 step %scan3A_56 iter_args(%scan3A_69 = %scan3A_52) -> (i32)  : i32 {
      %mul3A_70 = arith.constant 4 : i32
      %mul3A_71 = arith.muli %add3A, %mul3A_70 : i32
      %add3A_72 = arith.addi %mul3A_71, %scan3A_68 : i32
      %mul3A_73 = arith.constant 16 : i32
      %mul3A_74 = arith.muli %add3A_72, %mul3A_73 : i32
      %get3A = arith.index_cast %mul3A_74 : i32 to index
      %get3A_75 = tpu.vector_load %arg9[%get3A] {strides = array<i32>} : memref<2048xi32, #tpu.memory_space<vmem>>, vector<16xi32>,
      %mul3A_76 = arith.constant 16 : i32
      %mul3A_77 = arith.muli %scan3A_68, %mul3A_76 : i32
      %swap3A = arith.index_cast %mul3A_77 : i32 to index
      %swap3A_78 = tpu.vector_load %arg10[%swap3A] {strides = array<i32>} : memref<64xi32, #tpu.memory_space<vmem>>, vector<16xi32>,
      tpu.vector_store %arg10[%swap3A], %get3A_75 {strides = array<i32>} : memref<64xi32, #tpu.memory_space<vmem>>, vector<16xi32>,
      %scan3A_79 = arith.constant 0 : i32
      scf.yield %scan3A_79 : i32
    }
    %scan3A_58 = arith.constant 4 : i32
    "tpu.region"() ({
      %run_scoped3A = tpu.sem_alloc : memref<!tpu.dma_semaphore, #tpu.memory_space<semaphore_mem>>
      %dma_start3A_68 = tpu.memref_slice %arg8[%mul3A_2] : memref<2048xf32, #tpu.memory_space<vmem>> -> memref<64xf32, #tpu.memory_space<vmem>>
      %dma_start3A_69 = tpu.memref_slice %arg5[%mul3A_2] : memref<2048xf32, #tpu.memory_space<hbm>> -> memref<64xf32, #tpu.memory_space<hbm>>
      %dma_start3A_70 = tpu.memref_slice %arg5[%mul3A_2] : memref<2048xf32, #tpu.memory_space<hbm>> -> memref<64xf32, #tpu.memory_space<hbm>>
      %dma_start3A_71 = tpu.memref_slice %arg8[%mul3A_2] : memref<2048xf32, #tpu.memory_space<vmem>> -> memref<64xf32, #tpu.memory_space<vmem>>
      tpu.enqueue_dma source(%dma_start3A_71 : memref<64xf32, #tpu.memory_space<vmem>>) target(%dma_start3A_70 : memref<64xf32, #tpu.memory_space<hbm>>) target_semaphore(%run_scoped3A : memref<!tpu.dma_semaphore, #tpu.memory_space<semaphore_mem>>)
      %dma_wait3A_72 = tpu.memref_slice %arg8[%mul3A_2] : memref<2048xf32, #tpu.memory_space<vmem>> -> memref<64xf32, #tpu.memory_space<vmem>>
      %dma_wait3A_73 = tpu.memref_slice %arg5[%mul3A_2] : memref<2048xf32, #tpu.memory_space<hbm>> -> memref<64xf32, #tpu.memory_space<hbm>>
      %dma_wait3A_74 = tpu.memref_slice %arg5[%mul3A_2] : memref<2048xf32, #tpu.memory_space<hbm>> -> memref<64xf32, #tpu.memory_space<hbm>>
      %dma_wait3A_75 = tpu.memref_slice %arg8[%mul3A_2] : memref<2048xf32, #tpu.memory_space<vmem>> -> memref<64xf32, #tpu.memory_space<vmem>>
      tpu.wait_dma2 semaphore(%run_scoped3A : memref<!tpu.dma_semaphore, #tpu.memory_space<semaphore_mem>>) src(%dma_wait3A_75 : memref<64xf32, #tpu.memory_space<vmem>>) dst(%dma_wait3A_74 : memref<64xf32, #tpu.memory_space<hbm>>)
      tpu.yield
    }) : () -> ()
    %dma_wait3A = arith.constant 0 : i32
    %dma_wait3A_59 = tpu.memref_slice %arg3[%mul3A_2, %dma_wait3A] : memref<2048x1024xf32, #tpu.memory_space<hbm>> -> memref<64x1024xf32, #tpu.memory_space<hbm>>
    %dma_wait3A_60 = arith.constant 0 : i32
    %dma_wait3A_61 = tpu.memref_slice %arg3[%mul3A_2, %dma_wait3A_60] : memref<2048x1024xf32, #tpu.memory_space<hbm>> -> memref<64x1024xf32, #tpu.memory_space<hbm>>
    tpu.wait_dma2 semaphore(%arg13 : memref<!tpu.dma_semaphore, #tpu.memory_space<semaphore_mem>>) src(%dma_wait3A_61 : memref<64x1024xf32, #tpu.memory_space<hbm>>) dst(%arg11 : memref<64x1024xf32, #tpu.memory_space<vmem>>)
    %dma_start3A_62 = arith.constant 0 : i32
    %dma_start3A_63 = arith.constant 0 : i32
    %dma_start3A_64 = tpu.memref_slice %arg4[%dma_start3A_62, %dma_start3A_63] : memref<544x1024xf32, #tpu.memory_space<hbm>> -> memref<544x1024xf32, #tpu.memory_space<hbm>>
    tpu.enqueue_indirect_dma source(%arg11 : memref<64x1024xf32, #tpu.memory_space<vmem>>) target(%dma_start3A_64 : memref<544x1024xf32, #tpu.memory_space<hbm>>) offsets(%arg10 : memref<64xi32, #tpu.memory_space<vmem>>) semaphore(%arg12 : memref<!tpu.dma_semaphore, #tpu.memory_space<semaphore_mem>>)
    %dma_wait3A_65 = arith.constant 0 : i32
    %dma_wait3A_66 = arith.constant 0 : i32
    %dma_wait3A_67 = tpu.memref_slice %arg4[%dma_wait3A_65, %dma_wait3A_66] : memref<544x1024xf32, #tpu.memory_space<hbm>> -> memref<544x1024xf32, #tpu.memory_space<hbm>>
    tpu.wait_indirect_dma semaphore(%arg12 : memref<!tpu.dma_semaphore, #tpu.memory_space<semaphore_mem>>) src(%arg11 : memref<64x1024xf32, #tpu.memory_space<vmem>>) dst(%dma_wait3A_67 : memref<544x1024xf32, #tpu.memory_space<hbm>>)
    return
  }
}

module attributes {stable_mosaic.version = 14 : i64} {
  func.func @_proj_kernel(%arg0: i32, %arg1: memref<256x1024xf32, #tpu.memory_space<vmem>>, %arg2: memref<1024x96xbf16, #tpu.memory_space<vmem>>, %arg3: memref<96x2048xbf16, #tpu.memory_space<vmem>>, %arg4: memref<96x2048xbf16, #tpu.memory_space<vmem>>, %arg5: memref<1024x32xbf16, #tpu.memory_space<vmem>>, %arg6: memref<32x2048xbf16, #tpu.memory_space<vmem>>, %arg7: memref<32x2048xbf16, #tpu.memory_space<vmem>>, %arg8: memref<32x2048xbf16, #tpu.memory_space<vmem>>, %arg9: memref<1024x2048xbf16, #tpu.memory_space<vmem>>, %arg10: memref<1024x2048xbf16, #tpu.memory_space<vmem>>, %arg11: memref<1024x2048xbf16, #tpu.memory_space<vmem>>, %arg12: memref<1024x128xf32, #tpu.memory_space<vmem>>, %arg13: memref<1024x128xf32, #tpu.memory_space<vmem>>, %arg14: memref<256x2048xf32, #tpu.memory_space<vmem>>, %arg15: memref<256x2048xf32, #tpu.memory_space<vmem>>, %arg16: memref<8x2048xf32, #tpu.memory_space<vmem>>, %arg17: memref<256x2048xbf16, #tpu.memory_space<vmem>>, %arg18: memref<256x2048xbf16, #tpu.memory_space<vmem>>, %arg19: memref<256x2048xbf16, #tpu.memory_space<vmem>>, %arg20: memref<256x2048xbf16, #tpu.memory_space<vmem>>, %arg21: memref<256x2048xbf16, #tpu.memory_space<vmem>>, %arg22: memref<256x128xf32, #tpu.memory_space<vmem>>, %arg23: memref<1x1x128xf32, #tpu.memory_space<vmem>>) attributes {dimension_semantics = [#tpu.dimension_semantics<arbitrary>], iteration_bounds = array<i64: 8>, scalar_prefetch = 0 : i64, scratch_operands = 0 : i64, tpu.core_type = #tpu.core_type<tc>, window_params = [{transform_indices = @transform_0, window_bounds = array<i64: 256, 1024>}, {pipeline_mode = #tpu.pipeline_mode<synchronous>, transform_indices = @transform_1, window_bounds = array<i64: 1024, 96>}, {pipeline_mode = #tpu.pipeline_mode<synchronous>, transform_indices = @transform_2, window_bounds = array<i64: 96, 2048>}, {pipeline_mode = #tpu.pipeline_mode<synchronous>, transform_indices = @transform_3, window_bounds = array<i64: 96, 2048>}, {pipeline_mode = #tpu.pipeline_mode<synchronous>, transform_indices = @transform_4, window_bounds = array<i64: 1024, 32>}, {pipeline_mode = #tpu.pipeline_mode<synchronous>, transform_indices = @transform_5, window_bounds = array<i64: 32, 2048>}, {pipeline_mode = #tpu.pipeline_mode<synchronous>, transform_indices = @transform_6, window_bounds = array<i64: 32, 2048>}, {pipeline_mode = #tpu.pipeline_mode<synchronous>, transform_indices = @transform_7, window_bounds = array<i64: 32, 2048>}, {pipeline_mode = #tpu.pipeline_mode<synchronous>, transform_indices = @transform_8, window_bounds = array<i64: 1024, 2048>}, {pipeline_mode = #tpu.pipeline_mode<synchronous>, transform_indices = @transform_9, window_bounds = array<i64: 1024, 2048>}, {pipeline_mode = #tpu.pipeline_mode<synchronous>, transform_indices = @transform_10, window_bounds = array<i64: 1024, 2048>}, {pipeline_mode = #tpu.pipeline_mode<synchronous>, transform_indices = @transform_11, window_bounds = array<i64: 1024, 128>}, {pipeline_mode = #tpu.pipeline_mode<synchronous>, transform_indices = @transform_12, window_bounds = array<i64: 1024, 128>}, {transform_indices = @transform_13, window_bounds = array<i64: 256, 2048>}, {transform_indices = @transform_14, window_bounds = array<i64: 256, 2048>}, {pipeline_mode = #tpu.pipeline_mode<synchronous>, transform_indices = @transform_15, window_bounds = array<i64: 8, 2048>}, {transform_indices = @transform_16, window_bounds = array<i64: 256, 2048>}, {transform_indices = @transform_17, window_bounds = array<i64: 256, 2048>}, {transform_indices = @transform_18, window_bounds = array<i64: 256, 2048>}, {transform_indices = @transform_19, window_bounds = array<i64: 256, 2048>}, {transform_indices = @transform_20, window_bounds = array<i64: 256, 2048>}, {transform_indices = @transform_21, window_bounds = array<i64: 256, 128>}, {transform_indices = @transform_22, window_bounds = array<i64: 1, 1, 128>}]} {
    %get3A = arith.constant 0 : index
    %get3A_0 = arith.constant 0 : index
    %get3A_1 = vector.load %arg1[%get3A, %get3A_0] : memref<256x1024xf32, #tpu.memory_space<vmem>>, vector<256x1024xf32>
    %convert_element_type3A = arith.truncf %get3A_1 : vector<256x1024xf32> to vector<256x1024xbf16>
    %get3A_2 = arith.constant 0 : index
    %get3A_3 = arith.constant 0 : index
    %get3A_4 = vector.load %arg14[%get3A_2, %get3A_3] : memref<256x2048xf32, #tpu.memory_space<vmem>>, vector<256x2048xf32>
    %get3A_5 = arith.constant 0 : index
    %get3A_6 = arith.constant 0 : index
    %get3A_7 = vector.load %arg15[%get3A_5, %get3A_6] : memref<256x2048xf32, #tpu.memory_space<vmem>>, vector<256x2048xf32>
    %get3A_8 = arith.constant 0 : index
    %get3A_9 = arith.constant 0 : index
    %get3A_10 = vector.load %arg2[%get3A_8, %get3A_9] : memref<1024x96xbf16, #tpu.memory_space<vmem>>, vector<1024x96xbf16>
    %dot_general3A = arith.constant dense<0.000000e+00> : vector<256x96xf32>
    %dot_general3A_11 = tpu.matmul %convert_element_type3A, %get3A_10, %dot_general3A {dimension_numbers = #tpu.dot_dimension_numbers<[1], [0], [0], [1], [0, 0, 1, 1], [], []>, transpose_lhs_hint = false} : vector<256x1024xbf16>, vector<1024x96xbf16>, vector<256x96xf32> -> vector<256x96xf32>
    %mul3A = arith.mulf %dot_general3A_11, %dot_general3A_11 : vector<256x96xf32>
    %reduce_sum3A = arith.constant dense<0.000000e+00> : vector<256xf32>
    %reduce_sum3A_12 = vector.multi_reduction <add>, %mul3A, %reduce_sum3A [1] : vector<256x96xf32> to vector<256xf32>
    %broadcast_in_dim3A = vector.shape_cast %reduce_sum3A_12 : vector<256xf32> to vector<256x1xf32>
    %div3A = arith.constant 9.600000e+01 : f32
    %div3A_13 = vector.broadcast %div3A : f32 to vector<256x1xf32>
    %div3A_14 = arith.divf %broadcast_in_dim3A, %div3A_13 : vector<256x1xf32>
    %add3A = arith.constant 9.99999997E-7 : f32
    %add3A_15 = vector.broadcast %add3A : f32 to vector<256x1xf32>
    %add3A_16 = arith.addf %div3A_14, %add3A_15 : vector<256x1xf32>
    %rsqrt3A = math.rsqrt %add3A_16 : vector<256x1xf32>
    %mul3A_17 = vector.broadcast %rsqrt3A : vector<256x1xf32> to vector<256x96xf32>
    %mul3A_18 = arith.mulf %dot_general3A_11, %mul3A_17 : vector<256x96xf32>
    %convert_element_type3A_19 = arith.truncf %mul3A_18 : vector<256x96xf32> to vector<256x96xbf16>
    %get3A_20 = arith.constant 0 : index
    %get3A_21 = arith.constant 0 : index
    %get3A_22 = vector.load %arg3[%get3A_20, %get3A_21] : memref<96x2048xbf16, #tpu.memory_space<vmem>>, vector<96x2048xbf16>
    %dot_general3A_23 = arith.constant dense<0.000000e+00> : vector<256x2048xf32>
    %dot_general3A_24 = tpu.matmul %convert_element_type3A_19, %get3A_22, %dot_general3A_23 {dimension_numbers = #tpu.dot_dimension_numbers<[1], [0], [0], [1], [0, 0, 1, 1], [], []>, transpose_lhs_hint = false} : vector<256x96xbf16>, vector<96x2048xbf16>, vector<256x2048xf32> -> vector<256x2048xf32>
    %mul3A_25 = arith.mulf %dot_general3A_24, %get3A_4 : vector<256x2048xf32>
    %get3A_26 = arith.constant 0 : index
    %get3A_27 = arith.constant 0 : index
    %get3A_28 = vector.load %arg4[%get3A_26, %get3A_27] : memref<96x2048xbf16, #tpu.memory_space<vmem>>, vector<96x2048xbf16>
    %dot_general3A_29 = arith.constant dense<0.000000e+00> : vector<256x2048xf32>
    %dot_general3A_30 = tpu.matmul %convert_element_type3A_19, %get3A_28, %dot_general3A_29 {dimension_numbers = #tpu.dot_dimension_numbers<[1], [0], [0], [1], [0, 0, 1, 1], [], []>, transpose_lhs_hint = false} : vector<256x96xbf16>, vector<96x2048xbf16>, vector<256x2048xf32> -> vector<256x2048xf32>
    %mul3A_31 = arith.mulf %dot_general3A_30, %get3A_7 : vector<256x2048xf32>
    %add3A_32 = arith.addf %mul3A_25, %mul3A_31 : vector<256x2048xf32>
    %convert_element_type3A_33 = arith.truncf %add3A_32 : vector<256x2048xf32> to vector<256x2048xbf16>
    %swap3A = arith.constant 0 : index
    %swap3A_34 = arith.constant 0 : index
    %swap3A_35 = vector.load %arg17[%swap3A, %swap3A_34] : memref<256x2048xbf16, #tpu.memory_space<vmem>>, vector<256x2048xbf16>
    tpu.vector_store %arg17[%swap3A, %swap3A_34], %convert_element_type3A_33 {strides = array<i32>} : memref<256x2048xbf16, #tpu.memory_space<vmem>>, vector<256x2048xbf16>,
    %get3A_36 = arith.constant 0 : index
    %get3A_37 = arith.constant 0 : index
    %get3A_38 = vector.load %arg5[%get3A_36, %get3A_37] : memref<1024x32xbf16, #tpu.memory_space<vmem>>, vector<1024x32xbf16>
    %dot_general3A_39 = arith.constant dense<0.000000e+00> : vector<256x32xf32>
    %dot_general3A_40 = tpu.matmul %convert_element_type3A, %get3A_38, %dot_general3A_39 {dimension_numbers = #tpu.dot_dimension_numbers<[1], [0], [0], [1], [0, 0, 1, 1], [], []>, transpose_lhs_hint = false} : vector<256x1024xbf16>, vector<1024x32xbf16>, vector<256x32xf32> -> vector<256x32xf32>
    %mul3A_41 = arith.mulf %dot_general3A_40, %dot_general3A_40 : vector<256x32xf32>
    %reduce_sum3A_42 = arith.constant dense<0.000000e+00> : vector<256xf32>
    %reduce_sum3A_43 = vector.multi_reduction <add>, %mul3A_41, %reduce_sum3A_42 [1] : vector<256x32xf32> to vector<256xf32>
    %broadcast_in_dim3A_44 = vector.shape_cast %reduce_sum3A_43 : vector<256xf32> to vector<256x1xf32>
    %div3A_45 = arith.constant 3.200000e+01 : f32
    %div3A_46 = vector.broadcast %div3A_45 : f32 to vector<256x1xf32>
    %div3A_47 = arith.divf %broadcast_in_dim3A_44, %div3A_46 : vector<256x1xf32>
    %add3A_48 = arith.constant 9.99999997E-7 : f32
    %add3A_49 = vector.broadcast %add3A_48 : f32 to vector<256x1xf32>
    %add3A_50 = arith.addf %div3A_47, %add3A_49 : vector<256x1xf32>
    %rsqrt3A_51 = math.rsqrt %add3A_50 : vector<256x1xf32>
    %mul3A_52 = vector.broadcast %rsqrt3A_51 : vector<256x1xf32> to vector<256x32xf32>
    %mul3A_53 = arith.mulf %dot_general3A_40, %mul3A_52 : vector<256x32xf32>
    %convert_element_type3A_54 = arith.truncf %mul3A_53 : vector<256x32xf32> to vector<256x32xbf16>
    %get3A_55 = arith.constant 0 : index
    %get3A_56 = arith.constant 0 : index
    %get3A_57 = vector.load %arg6[%get3A_55, %get3A_56] : memref<32x2048xbf16, #tpu.memory_space<vmem>>, vector<32x2048xbf16>
    %dot_general3A_58 = arith.constant dense<0.000000e+00> : vector<256x2048xf32>
    %dot_general3A_59 = tpu.matmul %convert_element_type3A_54, %get3A_57, %dot_general3A_58 {dimension_numbers = #tpu.dot_dimension_numbers<[1], [0], [0], [1], [0, 0, 1, 1], [], []>, transpose_lhs_hint = false} : vector<256x32xbf16>, vector<32x2048xbf16>, vector<256x2048xf32> -> vector<256x2048xf32>
    %mul3A_60 = arith.mulf %dot_general3A_59, %get3A_4 : vector<256x2048xf32>
    %get3A_61 = arith.constant 0 : index
    %get3A_62 = arith.constant 0 : index
    %get3A_63 = vector.load %arg7[%get3A_61, %get3A_62] : memref<32x2048xbf16, #tpu.memory_space<vmem>>, vector<32x2048xbf16>
    %dot_general3A_64 = arith.constant dense<0.000000e+00> : vector<256x2048xf32>
    %dot_general3A_65 = tpu.matmul %convert_element_type3A_54, %get3A_63, %dot_general3A_64 {dimension_numbers = #tpu.dot_dimension_numbers<[1], [0], [0], [1], [0, 0, 1, 1], [], []>, transpose_lhs_hint = false} : vector<256x32xbf16>, vector<32x2048xbf16>, vector<256x2048xf32> -> vector<256x2048xf32>
    %mul3A_66 = arith.mulf %dot_general3A_65, %get3A_7 : vector<256x2048xf32>
    %add3A_67 = arith.addf %mul3A_60, %mul3A_66 : vector<256x2048xf32>
    %convert_element_type3A_68 = arith.truncf %add3A_67 : vector<256x2048xf32> to vector<256x2048xbf16>
    %swap3A_69 = arith.constant 0 : index
    %swap3A_70 = arith.constant 0 : index
    %swap3A_71 = vector.load %arg18[%swap3A_69, %swap3A_70] : memref<256x2048xbf16, #tpu.memory_space<vmem>>, vector<256x2048xbf16>
    tpu.vector_store %arg18[%swap3A_69, %swap3A_70], %convert_element_type3A_68 {strides = array<i32>} : memref<256x2048xbf16, #tpu.memory_space<vmem>>, vector<256x2048xbf16>,
    %get3A_72 = arith.constant 0 : index
    %get3A_73 = arith.constant 0 : index
    %get3A_74 = vector.load %arg16[%get3A_72, %get3A_73] : memref<8x2048xf32, #tpu.memory_space<vmem>>, vector<1x2048xf32>
    %get3A_75 = arith.constant 0 : index
    %get3A_76 = arith.constant 0 : index
    %get3A_77 = vector.load %arg8[%get3A_75, %get3A_76] : memref<32x2048xbf16, #tpu.memory_space<vmem>>, vector<32x2048xbf16>
    %dot_general3A_78 = arith.constant dense<0.000000e+00> : vector<256x2048xf32>
    %dot_general3A_79 = tpu.matmul %convert_element_type3A_54, %get3A_77, %dot_general3A_78 {dimension_numbers = #tpu.dot_dimension_numbers<[1], [0], [0], [1], [0, 0, 1, 1], [], []>, transpose_lhs_hint = false} : vector<256x32xbf16>, vector<32x2048xbf16>, vector<256x2048xf32> -> vector<256x2048xf32>
    %add3A_80 = vector.broadcast %get3A_74 : vector<1x2048xf32> to vector<256x2048xf32>
    %add3A_81 = arith.addf %dot_general3A_79, %add3A_80 : vector<256x2048xf32>
    %convert_element_type3A_82 = arith.truncf %add3A_81 : vector<256x2048xf32> to vector<256x2048xbf16>
    %swap3A_83 = arith.constant 0 : index
    %swap3A_84 = arith.constant 0 : index
    %swap3A_85 = vector.load %arg19[%swap3A_83, %swap3A_84] : memref<256x2048xbf16, #tpu.memory_space<vmem>>, vector<256x2048xbf16>
    tpu.vector_store %arg19[%swap3A_83, %swap3A_84], %convert_element_type3A_82 {strides = array<i32>} : memref<256x2048xbf16, #tpu.memory_space<vmem>>, vector<256x2048xbf16>,
    %get3A_86 = arith.constant 0 : index
    %get3A_87 = arith.constant 0 : index
    %get3A_88 = vector.load %arg9[%get3A_86, %get3A_87] : memref<1024x2048xbf16, #tpu.memory_space<vmem>>, vector<1024x2048xbf16>
    %dot_general3A_89 = arith.constant dense<0.000000e+00> : vector<256x2048xf32>
    %dot_general3A_90 = tpu.matmul %convert_element_type3A, %get3A_88, %dot_general3A_89 {dimension_numbers = #tpu.dot_dimension_numbers<[1], [0], [0], [1], [0, 0, 1, 1], [], []>, transpose_lhs_hint = false} : vector<256x1024xbf16>, vector<1024x2048xbf16>, vector<256x2048xf32> -> vector<256x2048xf32>
    %mul3A_91 = arith.mulf %dot_general3A_90, %get3A_4 : vector<256x2048xf32>
    %get3A_92 = arith.constant 0 : index
    %get3A_93 = arith.constant 0 : index
    %get3A_94 = vector.load %arg10[%get3A_92, %get3A_93] : memref<1024x2048xbf16, #tpu.memory_space<vmem>>, vector<1024x2048xbf16>
    %dot_general3A_95 = arith.constant dense<0.000000e+00> : vector<256x2048xf32>
    %dot_general3A_96 = tpu.matmul %convert_element_type3A, %get3A_94, %dot_general3A_95 {dimension_numbers = #tpu.dot_dimension_numbers<[1], [0], [0], [1], [0, 0, 1, 1], [], []>, transpose_lhs_hint = false} : vector<256x1024xbf16>, vector<1024x2048xbf16>, vector<256x2048xf32> -> vector<256x2048xf32>
    %mul3A_97 = arith.mulf %dot_general3A_96, %get3A_7 : vector<256x2048xf32>
    %add3A_98 = arith.addf %mul3A_91, %mul3A_97 : vector<256x2048xf32>
    %convert_element_type3A_99 = arith.truncf %add3A_98 : vector<256x2048xf32> to vector<256x2048xbf16>
    %swap3A_100 = arith.constant 0 : index
    %swap3A_101 = arith.constant 0 : index
    %swap3A_102 = vector.load %arg20[%swap3A_100, %swap3A_101] : memref<256x2048xbf16, #tpu.memory_space<vmem>>, vector<256x2048xbf16>
    tpu.vector_store %arg20[%swap3A_100, %swap3A_101], %convert_element_type3A_99 {strides = array<i32>} : memref<256x2048xbf16, #tpu.memory_space<vmem>>, vector<256x2048xbf16>,
    %get3A_103 = arith.constant 0 : index
    %get3A_104 = arith.constant 0 : index
    %get3A_105 = vector.load %arg11[%get3A_103, %get3A_104] : memref<1024x2048xbf16, #tpu.memory_space<vmem>>, vector<1024x2048xbf16>
    %dot_general3A_106 = arith.constant dense<0.000000e+00> : vector<256x2048xf32>
    %dot_general3A_107 = tpu.matmul %convert_element_type3A, %get3A_105, %dot_general3A_106 {dimension_numbers = #tpu.dot_dimension_numbers<[1], [0], [0], [1], [0, 0, 1, 1], [], []>, transpose_lhs_hint = false} : vector<256x1024xbf16>, vector<1024x2048xbf16>, vector<256x2048xf32> -> vector<256x2048xf32>
    %add3A_108 = vector.broadcast %get3A_74 : vector<1x2048xf32> to vector<256x2048xf32>
    %add3A_109 = arith.addf %dot_general3A_107, %add3A_108 : vector<256x2048xf32>
    %convert_element_type3A_110 = arith.truncf %add3A_109 : vector<256x2048xf32> to vector<256x2048xbf16>
    %swap3A_111 = arith.constant 0 : index
    %swap3A_112 = arith.constant 0 : index
    %swap3A_113 = vector.load %arg21[%swap3A_111, %swap3A_112] : memref<256x2048xbf16, #tpu.memory_space<vmem>>, vector<256x2048xbf16>
    tpu.vector_store %arg21[%swap3A_111, %swap3A_112], %convert_element_type3A_110 {strides = array<i32>} : memref<256x2048xbf16, #tpu.memory_space<vmem>>, vector<256x2048xbf16>,
    %get3A_114 = arith.constant 0 : index
    %get3A_115 = arith.constant 0 : index
    %get3A_116 = vector.load %arg12[%get3A_114, %get3A_115] : memref<1024x128xf32, #tpu.memory_space<vmem>>, vector<1024x128xf32>
    %dot_general3A_117 = arith.constant dense<0.000000e+00> : vector<256x128xf32>
    %dot_general3A_118 = tpu.matmul %get3A_1, %get3A_116, %dot_general3A_117 {dimension_numbers = #tpu.dot_dimension_numbers<[1], [0], [0], [1], [0, 0, 1, 1], [], []>, transpose_lhs_hint = false} : vector<256x1024xf32>, vector<1024x128xf32>, vector<256x128xf32> -> vector<256x128xf32>
    %swap3A_119 = arith.constant 0 : index
    %swap3A_120 = arith.constant 0 : index
    %swap3A_121 = vector.load %arg22[%swap3A_119, %swap3A_120] : memref<256x128xf32, #tpu.memory_space<vmem>>, vector<256x128xf32>
    tpu.vector_store %arg22[%swap3A_119, %swap3A_120], %dot_general3A_118 {strides = array<i32>} : memref<256x128xf32, #tpu.memory_space<vmem>>, vector<256x128xf32>,
    %get3A_122 = arith.constant 0 : index
    %get3A_123 = arith.constant 0 : index
    %get3A_124 = vector.load %arg13[%get3A_122, %get3A_123] : memref<1024x128xf32, #tpu.memory_space<vmem>>, vector<1024x128xf32>
    %dot_general3A_125 = arith.constant dense<0.000000e+00> : vector<256x128xf32>
    %dot_general3A_126 = tpu.matmul %get3A_1, %get3A_124, %dot_general3A_125 {dimension_numbers = #tpu.dot_dimension_numbers<[1], [0], [0], [1], [0, 0, 1, 1], [], []>, transpose_lhs_hint = false} : vector<256x1024xf32>, vector<1024x128xf32>, vector<256x128xf32> -> vector<256x128xf32>
    %reduce_sum3A_127 = arith.constant dense<0.000000e+00> : vector<128xf32>
    %reduce_sum3A_128 = vector.multi_reduction <add>, %dot_general3A_126, %reduce_sum3A_127 [0] : vector<256x128xf32> to vector<128xf32>
    %broadcast_in_dim3A_129 = vector.shape_cast %reduce_sum3A_128 : vector<128xf32> to vector<1x128xf32>
    %reshape3A = vector.shape_cast %broadcast_in_dim3A_129 : vector<1x128xf32> to vector<1x1x128xf32>
    %swap3A_130 = arith.constant 0 : index
    %swap3A_131 = arith.constant 0 : index
    %swap3A_132 = arith.constant 0 : index
    %swap3A_133 = vector.load %arg23[%swap3A_130, %swap3A_131, %swap3A_132] : memref<1x1x128xf32, #tpu.memory_space<vmem>>, vector<1x1x128xf32>
    tpu.vector_store %arg23[%swap3A_130, %swap3A_131, %swap3A_132], %reshape3A {strides = array<i32>} : memref<1x1x128xf32, #tpu.memory_space<vmem>>, vector<1x1x128xf32>,
    return
  }
  func.func @transform_0(%arg0: i32) -> (i32, i32) {
    %c0_i32 = arith.constant 0 : i32
    %c0_i32_0 = arith.constant 0 : i32
    return %arg0, %c0_i32 : i32, i32
  }
  func.func @transform_1(%arg0: i32) -> (i32, i32) {
    %c0_i32 = arith.constant 0 : i32
    %c0_i32_0 = arith.constant 0 : i32
    %c0_i32_1 = arith.constant 0 : i32
    return %c0_i32, %c0_i32_0 : i32, i32
  }
  func.func @transform_2(%arg0: i32) -> (i32, i32) {
    %c0_i32 = arith.constant 0 : i32
    %c0_i32_0 = arith.constant 0 : i32
    %c0_i32_1 = arith.constant 0 : i32
    return %c0_i32, %c0_i32_0 : i32, i32
  }
  func.func @transform_3(%arg0: i32) -> (i32, i32) {
    %c0_i32 = arith.constant 0 : i32
    %c0_i32_0 = arith.constant 0 : i32
    %c0_i32_1 = arith.constant 0 : i32
    return %c0_i32, %c0_i32_0 : i32, i32
  }
  func.func @transform_4(%arg0: i32) -> (i32, i32) {
    %c0_i32 = arith.constant 0 : i32
    %c0_i32_0 = arith.constant 0 : i32
    %c0_i32_1 = arith.constant 0 : i32
    return %c0_i32, %c0_i32_0 : i32, i32
  }
  func.func @transform_5(%arg0: i32) -> (i32, i32) {
    %c0_i32 = arith.constant 0 : i32
    %c0_i32_0 = arith.constant 0 : i32
    %c0_i32_1 = arith.constant 0 : i32
    return %c0_i32, %c0_i32_0 : i32, i32
  }
  func.func @transform_6(%arg0: i32) -> (i32, i32) {
    %c0_i32 = arith.constant 0 : i32
    %c0_i32_0 = arith.constant 0 : i32
    %c0_i32_1 = arith.constant 0 : i32
    return %c0_i32, %c0_i32_0 : i32, i32
  }
  func.func @transform_7(%arg0: i32) -> (i32, i32) {
    %c0_i32 = arith.constant 0 : i32
    %c0_i32_0 = arith.constant 0 : i32
    %c0_i32_1 = arith.constant 0 : i32
    return %c0_i32, %c0_i32_0 : i32, i32
  }
  func.func @transform_8(%arg0: i32) -> (i32, i32) {
    %c0_i32 = arith.constant 0 : i32
    %c0_i32_0 = arith.constant 0 : i32
    %c0_i32_1 = arith.constant 0 : i32
    return %c0_i32, %c0_i32_0 : i32, i32
  }
  func.func @transform_9(%arg0: i32) -> (i32, i32) {
    %c0_i32 = arith.constant 0 : i32
    %c0_i32_0 = arith.constant 0 : i32
    %c0_i32_1 = arith.constant 0 : i32
    return %c0_i32, %c0_i32_0 : i32, i32
  }
  func.func @transform_10(%arg0: i32) -> (i32, i32) {
    %c0_i32 = arith.constant 0 : i32
    %c0_i32_0 = arith.constant 0 : i32
    %c0_i32_1 = arith.constant 0 : i32
    return %c0_i32, %c0_i32_0 : i32, i32
  }
  func.func @transform_11(%arg0: i32) -> (i32, i32) {
    %c0_i32 = arith.constant 0 : i32
    %c0_i32_0 = arith.constant 0 : i32
    %c0_i32_1 = arith.constant 0 : i32
    return %c0_i32, %c0_i32_0 : i32, i32
  }
  func.func @transform_12(%arg0: i32) -> (i32, i32) {
    %c0_i32 = arith.constant 0 : i32
    %c0_i32_0 = arith.constant 0 : i32
    %c0_i32_1 = arith.constant 0 : i32
    return %c0_i32, %c0_i32_0 : i32, i32
  }
  func.func @transform_13(%arg0: i32) -> (i32, i32) {
    %c0_i32 = arith.constant 0 : i32
    %c0_i32_0 = arith.constant 0 : i32
    return %arg0, %c0_i32 : i32, i32
  }
  func.func @transform_14(%arg0: i32) -> (i32, i32) {
    %c0_i32 = arith.constant 0 : i32
    %c0_i32_0 = arith.constant 0 : i32
    return %arg0, %c0_i32 : i32, i32
  }
  func.func @transform_15(%arg0: i32) -> (i32, i32) {
    %c0_i32 = arith.constant 0 : i32
    %c0_i32_0 = arith.constant 0 : i32
    %c0_i32_1 = arith.constant 0 : i32
    return %c0_i32, %c0_i32_0 : i32, i32
  }
  func.func @transform_16(%arg0: i32) -> (i32, i32) {
    %c0_i32 = arith.constant 0 : i32
    %c0_i32_0 = arith.constant 0 : i32
    return %arg0, %c0_i32 : i32, i32
  }
  func.func @transform_17(%arg0: i32) -> (i32, i32) {
    %c0_i32 = arith.constant 0 : i32
    %c0_i32_0 = arith.constant 0 : i32
    return %arg0, %c0_i32 : i32, i32
  }
  func.func @transform_18(%arg0: i32) -> (i32, i32) {
    %c0_i32 = arith.constant 0 : i32
    %c0_i32_0 = arith.constant 0 : i32
    return %arg0, %c0_i32 : i32, i32
  }
  func.func @transform_19(%arg0: i32) -> (i32, i32) {
    %c0_i32 = arith.constant 0 : i32
    %c0_i32_0 = arith.constant 0 : i32
    return %arg0, %c0_i32 : i32, i32
  }
  func.func @transform_20(%arg0: i32) -> (i32, i32) {
    %c0_i32 = arith.constant 0 : i32
    %c0_i32_0 = arith.constant 0 : i32
    return %arg0, %c0_i32 : i32, i32
  }
  func.func @transform_21(%arg0: i32) -> (i32, i32) {
    %c0_i32 = arith.constant 0 : i32
    %c0_i32_0 = arith.constant 0 : i32
    return %arg0, %c0_i32 : i32, i32
  }
  func.func @transform_22(%arg0: i32) -> (i32, i32, i32) {
    %c0_i32 = arith.constant 0 : i32
    %c0_i32_0 = arith.constant 0 : i32
    %c0_i32_1 = arith.constant 0 : i32
    return %arg0, %c0_i32, %c0_i32_0 : i32, i32, i32
  }
}

module attributes {stable_mosaic.version = 14 : i64} {
  func.func @_selproj_kernel(%arg0: i32, %arg1: memref<512x1024xf32, #tpu.memory_space<vmem>>, %arg2: memref<1024x2048xbf16, #tpu.memory_space<vmem>>, %arg3: memref<1024x2048xbf16, #tpu.memory_space<vmem>>, %arg4: memref<1024x2048xbf16, #tpu.memory_space<vmem>>, %arg5: memref<512x2048xf32, #tpu.memory_space<vmem>>, %arg6: memref<512x2048xf32, #tpu.memory_space<vmem>>, %arg7: memref<8x2048xf32, #tpu.memory_space<vmem>>, %arg8: memref<512x2048xbf16, #tpu.memory_space<vmem>>, %arg9: memref<512x2048xbf16, #tpu.memory_space<vmem>>) attributes {dimension_semantics = [#tpu.dimension_semantics<arbitrary>], iteration_bounds = array<i64: 1>, scalar_prefetch = 0 : i64, scratch_operands = 0 : i64, tpu.core_type = #tpu.core_type<tc>, window_params = [{pipeline_mode = #tpu.pipeline_mode<synchronous>, transform_indices = @transform_0, window_bounds = array<i64: 512, 1024>}, {pipeline_mode = #tpu.pipeline_mode<synchronous>, transform_indices = @transform_1, window_bounds = array<i64: 1024, 2048>}, {pipeline_mode = #tpu.pipeline_mode<synchronous>, transform_indices = @transform_2, window_bounds = array<i64: 1024, 2048>}, {pipeline_mode = #tpu.pipeline_mode<synchronous>, transform_indices = @transform_3, window_bounds = array<i64: 1024, 2048>}, {pipeline_mode = #tpu.pipeline_mode<synchronous>, transform_indices = @transform_4, window_bounds = array<i64: 512, 2048>}, {pipeline_mode = #tpu.pipeline_mode<synchronous>, transform_indices = @transform_5, window_bounds = array<i64: 512, 2048>}, {pipeline_mode = #tpu.pipeline_mode<synchronous>, transform_indices = @transform_6, window_bounds = array<i64: 8, 2048>}, {pipeline_mode = #tpu.pipeline_mode<synchronous>, transform_indices = @transform_7, window_bounds = array<i64: 512, 2048>}, {pipeline_mode = #tpu.pipeline_mode<synchronous>, transform_indices = @transform_8, window_bounds = array<i64: 512, 2048>}]} {
    %get3A = arith.constant 0 : index
    %get3A_0 = arith.constant 0 : index
    %get3A_1 = vector.load %arg1[%get3A, %get3A_0] : memref<512x1024xf32, #tpu.memory_space<vmem>>, vector<512x1024xf32>
    %convert_element_type3A = arith.truncf %get3A_1 : vector<512x1024xf32> to vector<512x1024xbf16>
    %get3A_2 = arith.constant 0 : index
    %get3A_3 = arith.constant 0 : index
    %get3A_4 = vector.load %arg2[%get3A_2, %get3A_3] : memref<1024x2048xbf16, #tpu.memory_space<vmem>>, vector<1024x2048xbf16>
    %dot_general3A = arith.constant dense<0.000000e+00> : vector<512x2048xf32>
    %dot_general3A_5 = tpu.matmul %convert_element_type3A, %get3A_4, %dot_general3A {dimension_numbers = #tpu.dot_dimension_numbers<[1], [0], [0], [1], [0, 0, 1, 1], [], []>, transpose_lhs_hint = false} : vector<512x1024xbf16>, vector<1024x2048xbf16>, vector<512x2048xf32> -> vector<512x2048xf32>
    %get3A_6 = arith.constant 0 : index
    %get3A_7 = arith.constant 0 : index
    %get3A_8 = vector.load %arg5[%get3A_6, %get3A_7] : memref<512x2048xf32, #tpu.memory_space<vmem>>, vector<512x2048xf32>
    %mul3A = arith.mulf %dot_general3A_5, %get3A_8 : vector<512x2048xf32>
    %get3A_9 = arith.constant 0 : index
    %get3A_10 = arith.constant 0 : index
    %get3A_11 = vector.load %arg3[%get3A_9, %get3A_10] : memref<1024x2048xbf16, #tpu.memory_space<vmem>>, vector<1024x2048xbf16>
    %dot_general3A_12 = arith.constant dense<0.000000e+00> : vector<512x2048xf32>
    %dot_general3A_13 = tpu.matmul %convert_element_type3A, %get3A_11, %dot_general3A_12 {dimension_numbers = #tpu.dot_dimension_numbers<[1], [0], [0], [1], [0, 0, 1, 1], [], []>, transpose_lhs_hint = false} : vector<512x1024xbf16>, vector<1024x2048xbf16>, vector<512x2048xf32> -> vector<512x2048xf32>
    %get3A_14 = arith.constant 0 : index
    %get3A_15 = arith.constant 0 : index
    %get3A_16 = vector.load %arg6[%get3A_14, %get3A_15] : memref<512x2048xf32, #tpu.memory_space<vmem>>, vector<512x2048xf32>
    %mul3A_17 = arith.mulf %dot_general3A_13, %get3A_16 : vector<512x2048xf32>
    %add3A = arith.addf %mul3A, %mul3A_17 : vector<512x2048xf32>
    %convert_element_type3A_18 = arith.truncf %add3A : vector<512x2048xf32> to vector<512x2048xbf16>
    %swap3A = arith.constant 0 : index
    %swap3A_19 = arith.constant 0 : index
    %swap3A_20 = vector.load %arg8[%swap3A, %swap3A_19] : memref<512x2048xbf16, #tpu.memory_space<vmem>>, vector<512x2048xbf16>
    tpu.vector_store %arg8[%swap3A, %swap3A_19], %convert_element_type3A_18 {strides = array<i32>} : memref<512x2048xbf16, #tpu.memory_space<vmem>>, vector<512x2048xbf16>,
    %get3A_21 = arith.constant 0 : index
    %get3A_22 = arith.constant 0 : index
    %get3A_23 = vector.load %arg4[%get3A_21, %get3A_22] : memref<1024x2048xbf16, #tpu.memory_space<vmem>>, vector<1024x2048xbf16>
    %dot_general3A_24 = arith.constant dense<0.000000e+00> : vector<512x2048xf32>
    %dot_general3A_25 = tpu.matmul %convert_element_type3A, %get3A_23, %dot_general3A_24 {dimension_numbers = #tpu.dot_dimension_numbers<[1], [0], [0], [1], [0, 0, 1, 1], [], []>, transpose_lhs_hint = false} : vector<512x1024xbf16>, vector<1024x2048xbf16>, vector<512x2048xf32> -> vector<512x2048xf32>
    %get3A_26 = arith.constant 0 : index
    %get3A_27 = arith.constant 0 : index
    %get3A_28 = vector.load %arg7[%get3A_26, %get3A_27] : memref<8x2048xf32, #tpu.memory_space<vmem>>, vector<1x2048xf32>
    %add3A_29 = vector.broadcast %get3A_28 : vector<1x2048xf32> to vector<512x2048xf32>
    %add3A_30 = arith.addf %dot_general3A_25, %add3A_29 : vector<512x2048xf32>
    %convert_element_type3A_31 = arith.truncf %add3A_30 : vector<512x2048xf32> to vector<512x2048xbf16>
    %swap3A_32 = arith.constant 0 : index
    %swap3A_33 = arith.constant 0 : index
    %swap3A_34 = vector.load %arg9[%swap3A_32, %swap3A_33] : memref<512x2048xbf16, #tpu.memory_space<vmem>>, vector<512x2048xbf16>
    tpu.vector_store %arg9[%swap3A_32, %swap3A_33], %convert_element_type3A_31 {strides = array<i32>} : memref<512x2048xbf16, #tpu.memory_space<vmem>>, vector<512x2048xbf16>,
    return
  }
  func.func @transform_0(%arg0: i32) -> (i32, i32) {
    %c0_i32 = arith.constant 0 : i32
    %c0_i32_0 = arith.constant 0 : i32
    %c0_i32_1 = arith.constant 0 : i32
    return %c0_i32, %c0_i32_0 : i32, i32
  }
  func.func @transform_1(%arg0: i32) -> (i32, i32) {
    %c0_i32 = arith.constant 0 : i32
    %c0_i32_0 = arith.constant 0 : i32
    %c0_i32_1 = arith.constant 0 : i32
    return %c0_i32, %c0_i32_0 : i32, i32
  }
  func.func @transform_2(%arg0: i32) -> (i32, i32) {
    %c0_i32 = arith.constant 0 : i32
    %c0_i32_0 = arith.constant 0 : i32
    %c0_i32_1 = arith.constant 0 : i32
    return %c0_i32, %c0_i32_0 : i32, i32
  }
  func.func @transform_3(%arg0: i32) -> (i32, i32) {
    %c0_i32 = arith.constant 0 : i32
    %c0_i32_0 = arith.constant 0 : i32
    %c0_i32_1 = arith.constant 0 : i32
    return %c0_i32, %c0_i32_0 : i32, i32
  }
  func.func @transform_4(%arg0: i32) -> (i32, i32) {
    %c0_i32 = arith.constant 0 : i32
    %c0_i32_0 = arith.constant 0 : i32
    %c0_i32_1 = arith.constant 0 : i32
    return %c0_i32, %c0_i32_0 : i32, i32
  }
  func.func @transform_5(%arg0: i32) -> (i32, i32) {
    %c0_i32 = arith.constant 0 : i32
    %c0_i32_0 = arith.constant 0 : i32
    %c0_i32_1 = arith.constant 0 : i32
    return %c0_i32, %c0_i32_0 : i32, i32
  }
  func.func @transform_6(%arg0: i32) -> (i32, i32) {
    %c0_i32 = arith.constant 0 : i32
    %c0_i32_0 = arith.constant 0 : i32
    %c0_i32_1 = arith.constant 0 : i32
    return %c0_i32, %c0_i32_0 : i32, i32
  }
  func.func @transform_7(%arg0: i32) -> (i32, i32) {
    %c0_i32 = arith.constant 0 : i32
    %c0_i32_0 = arith.constant 0 : i32
    %c0_i32_1 = arith.constant 0 : i32
    return %c0_i32, %c0_i32_0 : i32, i32
  }
  func.func @transform_8(%arg0: i32) -> (i32, i32) {
    %c0_i32 = arith.constant 0 : i32
    %c0_i32_0 = arith.constant 0 : i32
    %c0_i32_1 = arith.constant 0 : i32
    return %c0_i32, %c0_i32_0 : i32, i32
  }
}

module attributes {stable_mosaic.version = 14 : i64} {
  func.func @_attn_kernel(%arg0: i32, %arg1: memref<512x128xbf16, #tpu.memory_space<vmem>>, %arg2: memref<512x128xbf16, #tpu.memory_space<vmem>>, %arg3: memref<512x128xbf16, #tpu.memory_space<vmem>>, %arg4: memref<512x128xbf16, #tpu.memory_space<vmem>>, %arg5: memref<512x128xbf16, #tpu.memory_space<vmem>>, %arg6: memref<512x128xbf16, #tpu.memory_space<vmem>>, %arg7: memref<512x128xbf16, #tpu.memory_space<vmem>>, %arg8: memref<512x128xf32, #tpu.memory_space<vmem>>, %arg9: memref<8x384xf32, #tpu.memory_space<vmem>>, %arg10: memref<128x1024xbf16, #tpu.memory_space<vmem>>, %arg11: memref<512x1024xf32, #tpu.memory_space<vmem>>) attributes {dimension_semantics = [#tpu.dimension_semantics<arbitrary>], iteration_bounds = array<i64: 16>, scalar_prefetch = 0 : i64, scratch_operands = 0 : i64, tpu.core_type = #tpu.core_type<tc>, window_params = [{transform_indices = @transform_0, window_bounds = array<i64: 512, 128>}, {transform_indices = @transform_1, window_bounds = array<i64: 512, 128>}, {transform_indices = @transform_2, window_bounds = array<i64: 512, 128>}, {transform_indices = @transform_3, window_bounds = array<i64: 512, 128>}, {transform_indices = @transform_4, window_bounds = array<i64: 512, 128>}, {transform_indices = @transform_5, window_bounds = array<i64: 512, 128>}, {transform_indices = @transform_6, window_bounds = array<i64: 512, 128>}, {transform_indices = @transform_7, window_bounds = array<i64: 512, 128>}, {pipeline_mode = #tpu.pipeline_mode<synchronous>, transform_indices = @transform_8, window_bounds = array<i64: 8, 384>}, {transform_indices = @transform_9, window_bounds = array<i64: 128, 1024>}, {pipeline_mode = #tpu.pipeline_mode<synchronous>, transform_indices = @transform_10, window_bounds = array<i64: 512, 1024>}]} {
    %get3A = arith.constant 0 : index
    %get3A_0 = arith.constant 0 : index
    %get3A_1 = vector.load %arg1[%get3A, %get3A_0] : memref<512x128xbf16, #tpu.memory_space<vmem>>, vector<512x128xbf16>
    %iota3A = tpu.iota {dimensions = array<i32: 0>} : vector<512x512xi32>
    %add3A = arith.constant 0 : i32
    %add3A_2 = vector.broadcast %add3A : i32 to vector<512x512xi32>
    %add3A_3 = arith.addi %add3A_2, %iota3A : vector<512x512xi32>
    %iota3A_4 = tpu.iota {dimensions = array<i32: 1>} : vector<512x512xi32>
    %le3A = arith.cmpi sle, %iota3A_4, %add3A_3 : vector<512x512xi32>
    %get3A_5 = arith.constant 0 : index
    %get3A_6 = arith.constant 0 : index
    %get3A_7 = vector.load %arg2[%get3A_5, %get3A_6] : memref<512x128xbf16, #tpu.memory_space<vmem>>, vector<512x128xbf16>
    %dot_general3A = arith.constant dense<0.000000e+00> : vector<512x512xf32>
    %dot_general3A_8 = tpu.matmul %get3A_1, %get3A_7, %dot_general3A {dimension_numbers = #tpu.dot_dimension_numbers<[1], [1], [0], [0], [0, 0, 1, 0], [], []>, transpose_lhs_hint = false} : vector<512x128xbf16>, vector<512x128xbf16>, vector<512x512xf32> -> vector<512x512xf32>
    %mul3A = arith.constant 0.102062076 : f32
    %mul3A_9 = vector.broadcast %mul3A : f32 to vector<512x512xf32>
    %mul3A_10 = arith.mulf %dot_general3A_8, %mul3A_9 : vector<512x512xf32>
    %exp3A = math.exp %mul3A_10 : vector<512x512xf32>
    %jit3A = arith.constant 0.000000e+00 : f32
    %broadcast_in_dim3A = vector.broadcast %jit3A : f32 to vector<512x512xf32>
    %select_n3A = arith.select %le3A, %exp3A, %broadcast_in_dim3A : vector<512x512xi1>, vector<512x512xf32>
    %convert_element_type3A = arith.truncf %select_n3A : vector<512x512xf32> to vector<512x512xbf16>
    %get3A_11 = arith.constant 0 : index
    %get3A_12 = arith.constant 0 : index
    %get3A_13 = vector.load %arg3[%get3A_11, %get3A_12] : memref<512x128xbf16, #tpu.memory_space<vmem>>, vector<512x128xbf16>
    %dot_general3A_14 = arith.constant dense<0.000000e+00> : vector<512x128xf32>
    %dot_general3A_15 = tpu.matmul %convert_element_type3A, %get3A_13, %dot_general3A_14 {dimension_numbers = #tpu.dot_dimension_numbers<[1], [0], [0], [1], [0, 0, 1, 1], [], []>, transpose_lhs_hint = false} : vector<512x512xbf16>, vector<512x128xbf16>, vector<512x128xf32> -> vector<512x128xf32>
    %slice3A = vector.extract_strided_slice %dot_general3A_15 {offsets = [0, 127], sizes = [512, 1], strides = [1, 1]} : vector<512x128xf32> to vector<512x1xf32>
    %get3A_16 = arith.constant 0 : index
    %get3A_17 = arith.constant 0 : index
    %get3A_18 = vector.load %arg4[%get3A_16, %get3A_17] : memref<512x128xbf16, #tpu.memory_space<vmem>>, vector<512x128xbf16>
    %dot_general3A_19 = arith.constant dense<0.000000e+00> : vector<512x512xf32>
    %dot_general3A_20 = tpu.matmul %get3A_1, %get3A_18, %dot_general3A_19 {dimension_numbers = #tpu.dot_dimension_numbers<[1], [1], [0], [0], [0, 0, 1, 0], [], []>, transpose_lhs_hint = false} : vector<512x128xbf16>, vector<512x128xbf16>, vector<512x512xf32> -> vector<512x512xf32>
    %mul3A_21 = arith.constant 0.102062076 : f32
    %mul3A_22 = vector.broadcast %mul3A_21 : f32 to vector<512x512xf32>
    %mul3A_23 = arith.mulf %dot_general3A_20, %mul3A_22 : vector<512x512xf32>
    %exp3A_24 = math.exp %mul3A_23 : vector<512x512xf32>
    %jit3A_25 = arith.constant 0.000000e+00 : f32
    %broadcast_in_dim3A_26 = vector.broadcast %jit3A_25 : f32 to vector<512x512xf32>
    %select_n3A_27 = arith.select %le3A, %exp3A_24, %broadcast_in_dim3A_26 : vector<512x512xi1>, vector<512x512xf32>
    %convert_element_type3A_28 = arith.truncf %select_n3A_27 : vector<512x512xf32> to vector<512x512xbf16>
    %get3A_29 = arith.constant 0 : index
    %get3A_30 = arith.constant 0 : index
    %get3A_31 = vector.load %arg5[%get3A_29, %get3A_30] : memref<512x128xbf16, #tpu.memory_space<vmem>>, vector<512x128xbf16>
    %dot_general3A_32 = arith.constant dense<0.000000e+00> : vector<512x128xf32>
    %dot_general3A_33 = tpu.matmul %convert_element_type3A_28, %get3A_31, %dot_general3A_32 {dimension_numbers = #tpu.dot_dimension_numbers<[1], [0], [0], [1], [0, 0, 1, 1], [], []>, transpose_lhs_hint = false} : vector<512x512xbf16>, vector<512x128xbf16>, vector<512x128xf32> -> vector<512x128xf32>
    %slice3A_34 = vector.extract_strided_slice %dot_general3A_33 {offsets = [0, 127], sizes = [512, 1], strides = [1, 1]} : vector<512x128xf32> to vector<512x1xf32>
    %get3A_35 = arith.constant 0 : index
    %get3A_36 = arith.constant 0 : index
    %get3A_37 = vector.load %arg8[%get3A_35, %get3A_36] : memref<512x128xf32, #tpu.memory_space<vmem>>, vector<512x1xf32>
    %iota3A_38 = tpu.iota {dimensions = array<i32: 1>} : vector<512x512xi32>
    %convert_element_type3A_39 = arith.sitofp %iota3A_38 : vector<512x512xi32> to vector<512x512xf32>
    %get3A_40 = arith.constant 0 : index
    %get3A_41 = arith.constant 0 : index
    %get3A_42 = vector.load %arg6[%get3A_40, %get3A_41] : memref<512x128xbf16, #tpu.memory_space<vmem>>, vector<512x128xbf16>
    %dot_general3A_43 = arith.constant dense<0.000000e+00> : vector<512x512xf32>
    %dot_general3A_44 = tpu.matmul %get3A_1, %get3A_42, %dot_general3A_43 {dimension_numbers = #tpu.dot_dimension_numbers<[1], [1], [0], [0], [0, 0, 1, 0], [], []>, transpose_lhs_hint = false} : vector<512x128xbf16>, vector<512x128xbf16>, vector<512x512xf32> -> vector<512x512xf32>
    %mul3A_45 = arith.constant 0.102062076 : f32
    %mul3A_46 = vector.broadcast %mul3A_45 : f32 to vector<512x512xf32>
    %mul3A_47 = arith.mulf %dot_general3A_44, %mul3A_46 : vector<512x512xf32>
    %lt3A = vector.broadcast %get3A_37 : vector<512x1xf32> to vector<512x512xf32>
    %lt3A_48 = arith.cmpf olt, %convert_element_type3A_39, %lt3A : vector<512x512xf32>
    %jit3A_49 = arith.constant -1.000000e+09 : f32
    %broadcast_in_dim3A_50 = vector.broadcast %jit3A_49 : f32 to vector<512x512xf32>
    %select_n3A_51 = arith.select %lt3A_48, %mul3A_47, %broadcast_in_dim3A_50 : vector<512x512xi1>, vector<512x512xf32>
    %reduce_max3A = arith.constant dense<0xFF800000> : vector<512xf32>
    %reduce_max3A_52 = vector.multi_reduction <maximumf>, %select_n3A_51, %reduce_max3A [1] : vector<512x512xf32> to vector<512xf32>
    %broadcast_in_dim3A_53 = vector.shape_cast %reduce_max3A_52 : vector<512xf32> to vector<512x1xf32>
    %sub3A = vector.broadcast %broadcast_in_dim3A_53 : vector<512x1xf32> to vector<512x512xf32>
    %sub3A_54 = arith.subf %select_n3A_51, %sub3A : vector<512x512xf32>
    %exp3A_55 = math.exp %sub3A_54 : vector<512x512xf32>
    %convert_element_type3A_56 = arith.truncf %exp3A_55 : vector<512x512xf32> to vector<512x512xbf16>
    %get3A_57 = arith.constant 0 : index
    %get3A_58 = arith.constant 0 : index
    %get3A_59 = vector.load %arg7[%get3A_57, %get3A_58] : memref<512x128xbf16, #tpu.memory_space<vmem>>, vector<512x128xbf16>
    %dot_general3A_60 = arith.constant dense<0.000000e+00> : vector<512x128xf32>
    %dot_general3A_61 = tpu.matmul %convert_element_type3A_56, %get3A_59, %dot_general3A_60 {dimension_numbers = #tpu.dot_dimension_numbers<[1], [0], [0], [1], [0, 0, 1, 1], [], []>, transpose_lhs_hint = false} : vector<512x512xbf16>, vector<512x128xbf16>, vector<512x128xf32> -> vector<512x128xf32>
    %slice3A_62 = vector.extract_strided_slice %dot_general3A_61 {offsets = [0, 127], sizes = [512, 1], strides = [1, 1]} : vector<512x128xf32> to vector<512x1xf32>
    %get3A_63 = arith.constant 0 : index
    %get3A_64 = arith.constant 0 : index
    %get3A_65 = vector.load %arg9[%get3A_63, %get3A_64] : memref<8x384xf32, #tpu.memory_space<vmem>>, vector<1x128xf32>
    %get3A_66 = arith.constant 0 : index
    %get3A_67 = arith.constant 128 : index
    %get3A_68 = vector.load %arg9[%get3A_66, %get3A_67] : memref<8x384xf32, #tpu.memory_space<vmem>>, vector<1x128xf32>
    %get3A_69 = arith.constant 0 : index
    %get3A_70 = arith.constant 256 : index
    %get3A_71 = vector.load %arg9[%get3A_69, %get3A_70] : memref<8x384xf32, #tpu.memory_space<vmem>>, vector<1x128xf32>
    %div3A = vector.broadcast %get3A_65 : vector<1x128xf32> to vector<512x128xf32>
    %div3A_72 = vector.broadcast %slice3A : vector<512x1xf32> to vector<512x128xf32>
    %div3A_73 = arith.divf %div3A, %div3A_72 : vector<512x128xf32>
    %mul3A_74 = arith.mulf %dot_general3A_15, %div3A_73 : vector<512x128xf32>
    %div3A_75 = vector.broadcast %get3A_68 : vector<1x128xf32> to vector<512x128xf32>
    %div3A_76 = vector.broadcast %slice3A_62 : vector<512x1xf32> to vector<512x128xf32>
    %div3A_77 = arith.divf %div3A_75, %div3A_76 : vector<512x128xf32>
    %mul3A_78 = arith.mulf %dot_general3A_61, %div3A_77 : vector<512x128xf32>
    %add3A_79 = arith.addf %mul3A_74, %mul3A_78 : vector<512x128xf32>
    %div3A_80 = vector.broadcast %get3A_71 : vector<1x128xf32> to vector<512x128xf32>
    %div3A_81 = vector.broadcast %slice3A_34 : vector<512x1xf32> to vector<512x128xf32>
    %div3A_82 = arith.divf %div3A_80, %div3A_81 : vector<512x128xf32>
    %mul3A_83 = arith.mulf %dot_general3A_33, %div3A_82 : vector<512x128xf32>
    %add3A_84 = arith.addf %add3A_79, %mul3A_83 : vector<512x128xf32>
    %convert_element_type3A_85 = arith.truncf %add3A_84 : vector<512x128xf32> to vector<512x128xbf16>
    %get3A_86 = arith.constant 0 : index
    %get3A_87 = arith.constant 0 : index
    %get3A_88 = vector.load %arg10[%get3A_86, %get3A_87] : memref<128x1024xbf16, #tpu.memory_space<vmem>>, vector<128x1024xbf16>
    %dot_general3A_89 = arith.constant dense<0.000000e+00> : vector<512x1024xf32>
    %dot_general3A_90 = tpu.matmul %convert_element_type3A_85, %get3A_88, %dot_general3A_89 {dimension_numbers = #tpu.dot_dimension_numbers<[1], [0], [0], [1], [0, 0, 1, 1], [], []>, transpose_lhs_hint = false} : vector<512x128xbf16>, vector<128x1024xbf16>, vector<512x1024xf32> -> vector<512x1024xf32>
    %eq3A = arith.constant 0 : i32
    %eq3A_91 = arith.cmpi eq, %arg0, %eq3A : i32
    %convert_element_type3A_92 = arith.extui %eq3A_91 : i1 to i32
    %cond3A = arith.constant 0 : i32
    %cond3A_93 = arith.cmpi ne, %convert_element_type3A_92, %cond3A : i32
    scf.if %cond3A_93 {
      %swap3A = arith.constant 0 : index
      %swap3A_98 = arith.constant 0 : index
      %swap3A_99 = vector.load %arg11[%swap3A, %swap3A_98] : memref<512x1024xf32, #tpu.memory_space<vmem>>, vector<512x1024xf32>
      tpu.vector_store %arg11[%swap3A, %swap3A_98], %dot_general3A_90 {strides = array<i32>} : memref<512x1024xf32, #tpu.memory_space<vmem>>, vector<512x1024xf32>,
    } else {
    }
    %ne3A = arith.constant 0 : i32
    %ne3A_94 = arith.cmpi ne, %arg0, %ne3A : i32
    %convert_element_type3A_95 = arith.extui %ne3A_94 : i1 to i32
    %cond3A_96 = arith.constant 0 : i32
    %cond3A_97 = arith.cmpi ne, %convert_element_type3A_95, %cond3A_96 : i32
    scf.if %cond3A_97 {
      %get3A_98 = arith.constant 0 : index
      %get3A_99 = arith.constant 0 : index
      %get3A_100 = vector.load %arg11[%get3A_98, %get3A_99] : memref<512x1024xf32, #tpu.memory_space<vmem>>, vector<512x1024xf32>
      %add3A_101 = arith.addf %get3A_100, %dot_general3A_90 : vector<512x1024xf32>
      %swap3A = arith.constant 0 : index
      %swap3A_102 = arith.constant 0 : index
      %swap3A_103 = vector.load %arg11[%swap3A, %swap3A_102] : memref<512x1024xf32, #tpu.memory_space<vmem>>, vector<512x1024xf32>
      tpu.vector_store %arg11[%swap3A, %swap3A_102], %add3A_101 {strides = array<i32>} : memref<512x1024xf32, #tpu.memory_space<vmem>>, vector<512x1024xf32>,
    } else {
    }
    return
  }
  func.func @transform_0(%arg0: i32) -> (i32, i32) {
    %c0_i32 = arith.constant 0 : i32
    %c0_i32_0 = arith.constant 0 : i32
    return %c0_i32, %arg0 : i32, i32
  }
  func.func @transform_1(%arg0: i32) -> (i32, i32) {
    %c0_i32 = arith.constant 0 : i32
    %c0_i32_0 = arith.constant 0 : i32
    return %c0_i32, %arg0 : i32, i32
  }
  func.func @transform_2(%arg0: i32) -> (i32, i32) {
    %c0_i32 = arith.constant 0 : i32
    %c0_i32_0 = arith.constant 0 : i32
    return %c0_i32, %arg0 : i32, i32
  }
  func.func @transform_3(%arg0: i32) -> (i32, i32) {
    %c0_i32 = arith.constant 0 : i32
    %c0_i32_0 = arith.constant 0 : i32
    return %c0_i32, %arg0 : i32, i32
  }
  func.func @transform_4(%arg0: i32) -> (i32, i32) {
    %c0_i32 = arith.constant 0 : i32
    %c0_i32_0 = arith.constant 0 : i32
    return %c0_i32, %arg0 : i32, i32
  }
  func.func @transform_5(%arg0: i32) -> (i32, i32) {
    %c0_i32 = arith.constant 0 : i32
    %c0_i32_0 = arith.constant 0 : i32
    return %c0_i32, %arg0 : i32, i32
  }
  func.func @transform_6(%arg0: i32) -> (i32, i32) {
    %c0_i32 = arith.constant 0 : i32
    %c0_i32_0 = arith.constant 0 : i32
    return %c0_i32, %arg0 : i32, i32
  }
  func.func @transform_7(%arg0: i32) -> (i32, i32) {
    %c0_i32 = arith.constant 0 : i32
    %c0_i32_0 = arith.constant 0 : i32
    %c0_i32_1 = arith.constant 0 : i32
    return %c0_i32, %c0_i32_0 : i32, i32
  }
  func.func @transform_8(%arg0: i32) -> (i32, i32) {
    %c0_i32 = arith.constant 0 : i32
    %c0_i32_0 = arith.constant 0 : i32
    %c0_i32_1 = arith.constant 0 : i32
    return %c0_i32, %c0_i32_0 : i32, i32
  }
  func.func @transform_9(%arg0: i32) -> (i32, i32) {
    %c0_i32 = arith.constant 0 : i32
    %c0_i32_0 = arith.constant 0 : i32
    return %arg0, %c0_i32 : i32, i32
  }
  func.func @transform_10(%arg0: i32) -> (i32, i32) {
    %c0_i32 = arith.constant 0 : i32
    %c0_i32_0 = arith.constant 0 : i32
    %c0_i32_1 = arith.constant 0 : i32
    return %c0_i32, %c0_i32_0 : i32, i32
  }
}

module attributes {stable_mosaic.version = 14 : i64} {
  func.func @_attn_kernel(%arg0: i32, %arg1: memref<512x128xbf16, #tpu.memory_space<vmem>>, %arg2: memref<1024x128xbf16, #tpu.memory_space<vmem>>, %arg3: memref<1024x128xbf16, #tpu.memory_space<vmem>>, %arg4: memref<1024x128xbf16, #tpu.memory_space<vmem>>, %arg5: memref<1024x128xbf16, #tpu.memory_space<vmem>>, %arg6: memref<512x128xbf16, #tpu.memory_space<vmem>>, %arg7: memref<512x128xbf16, #tpu.memory_space<vmem>>, %arg8: memref<512x128xf32, #tpu.memory_space<vmem>>, %arg9: memref<8x384xf32, #tpu.memory_space<vmem>>, %arg10: memref<128x1024xbf16, #tpu.memory_space<vmem>>, %arg11: memref<512x1024xf32, #tpu.memory_space<vmem>>) attributes {dimension_semantics = [#tpu.dimension_semantics<arbitrary>], iteration_bounds = array<i64: 16>, scalar_prefetch = 0 : i64, scratch_operands = 0 : i64, tpu.core_type = #tpu.core_type<tc>, window_params = [{transform_indices = @transform_0, window_bounds = array<i64: 512, 128>}, {transform_indices = @transform_1, window_bounds = array<i64: 1024, 128>}, {transform_indices = @transform_2, window_bounds = array<i64: 1024, 128>}, {transform_indices = @transform_3, window_bounds = array<i64: 1024, 128>}, {transform_indices = @transform_4, window_bounds = array<i64: 1024, 128>}, {transform_indices = @transform_5, window_bounds = array<i64: 512, 128>}, {transform_indices = @transform_6, window_bounds = array<i64: 512, 128>}, {transform_indices = @transform_7, window_bounds = array<i64: 512, 128>}, {pipeline_mode = #tpu.pipeline_mode<synchronous>, transform_indices = @transform_8, window_bounds = array<i64: 8, 384>}, {transform_indices = @transform_9, window_bounds = array<i64: 128, 1024>}, {pipeline_mode = #tpu.pipeline_mode<synchronous>, transform_indices = @transform_10, window_bounds = array<i64: 512, 1024>}]} {
    %get3A = arith.constant 0 : index
    %get3A_0 = arith.constant 0 : index
    %get3A_1 = vector.load %arg1[%get3A, %get3A_0] : memref<512x128xbf16, #tpu.memory_space<vmem>>, vector<512x128xbf16>
    %iota3A = tpu.iota {dimensions = array<i32: 0>} : vector<512x1024xi32>
    %add3A = arith.constant 512 : i32
    %add3A_2 = vector.broadcast %add3A : i32 to vector<512x1024xi32>
    %add3A_3 = arith.addi %add3A_2, %iota3A : vector<512x1024xi32>
    %iota3A_4 = tpu.iota {dimensions = array<i32: 1>} : vector<512x1024xi32>
    %le3A = arith.cmpi sle, %iota3A_4, %add3A_3 : vector<512x1024xi32>
    %get3A_5 = arith.constant 0 : index
    %get3A_6 = arith.constant 0 : index
    %get3A_7 = vector.load %arg2[%get3A_5, %get3A_6] : memref<1024x128xbf16, #tpu.memory_space<vmem>>, vector<1024x128xbf16>
    %dot_general3A = arith.constant dense<0.000000e+00> : vector<512x1024xf32>
    %dot_general3A_8 = tpu.matmul %get3A_1, %get3A_7, %dot_general3A {dimension_numbers = #tpu.dot_dimension_numbers<[1], [1], [0], [0], [0, 0, 1, 0], [], []>, transpose_lhs_hint = false} : vector<512x128xbf16>, vector<1024x128xbf16>, vector<512x1024xf32> -> vector<512x1024xf32>
    %mul3A = arith.constant 0.102062076 : f32
    %mul3A_9 = vector.broadcast %mul3A : f32 to vector<512x1024xf32>
    %mul3A_10 = arith.mulf %dot_general3A_8, %mul3A_9 : vector<512x1024xf32>
    %exp3A = math.exp %mul3A_10 : vector<512x1024xf32>
    %jit3A = arith.constant 0.000000e+00 : f32
    %broadcast_in_dim3A = vector.broadcast %jit3A : f32 to vector<512x1024xf32>
    %select_n3A = arith.select %le3A, %exp3A, %broadcast_in_dim3A : vector<512x1024xi1>, vector<512x1024xf32>
    %convert_element_type3A = arith.truncf %select_n3A : vector<512x1024xf32> to vector<512x1024xbf16>
    %get3A_11 = arith.constant 0 : index
    %get3A_12 = arith.constant 0 : index
    %get3A_13 = vector.load %arg3[%get3A_11, %get3A_12] : memref<1024x128xbf16, #tpu.memory_space<vmem>>, vector<1024x128xbf16>
    %dot_general3A_14 = arith.constant dense<0.000000e+00> : vector<512x128xf32>
    %dot_general3A_15 = tpu.matmul %convert_element_type3A, %get3A_13, %dot_general3A_14 {dimension_numbers = #tpu.dot_dimension_numbers<[1], [0], [0], [1], [0, 0, 1, 1], [], []>, transpose_lhs_hint = false} : vector<512x1024xbf16>, vector<1024x128xbf16>, vector<512x128xf32> -> vector<512x128xf32>
    %slice3A = vector.extract_strided_slice %dot_general3A_15 {offsets = [0, 127], sizes = [512, 1], strides = [1, 1]} : vector<512x128xf32> to vector<512x1xf32>
    %get3A_16 = arith.constant 0 : index
    %get3A_17 = arith.constant 0 : index
    %get3A_18 = vector.load %arg4[%get3A_16, %get3A_17] : memref<1024x128xbf16, #tpu.memory_space<vmem>>, vector<1024x128xbf16>
    %dot_general3A_19 = arith.constant dense<0.000000e+00> : vector<512x1024xf32>
    %dot_general3A_20 = tpu.matmul %get3A_1, %get3A_18, %dot_general3A_19 {dimension_numbers = #tpu.dot_dimension_numbers<[1], [1], [0], [0], [0, 0, 1, 0], [], []>, transpose_lhs_hint = false} : vector<512x128xbf16>, vector<1024x128xbf16>, vector<512x1024xf32> -> vector<512x1024xf32>
    %mul3A_21 = arith.constant 0.102062076 : f32
    %mul3A_22 = vector.broadcast %mul3A_21 : f32 to vector<512x1024xf32>
    %mul3A_23 = arith.mulf %dot_general3A_20, %mul3A_22 : vector<512x1024xf32>
    %exp3A_24 = math.exp %mul3A_23 : vector<512x1024xf32>
    %jit3A_25 = arith.constant 0.000000e+00 : f32
    %broadcast_in_dim3A_26 = vector.broadcast %jit3A_25 : f32 to vector<512x1024xf32>
    %select_n3A_27 = arith.select %le3A, %exp3A_24, %broadcast_in_dim3A_26 : vector<512x1024xi1>, vector<512x1024xf32>
    %convert_element_type3A_28 = arith.truncf %select_n3A_27 : vector<512x1024xf32> to vector<512x1024xbf16>
    %get3A_29 = arith.constant 0 : index
    %get3A_30 = arith.constant 0 : index
    %get3A_31 = vector.load %arg5[%get3A_29, %get3A_30] : memref<1024x128xbf16, #tpu.memory_space<vmem>>, vector<1024x128xbf16>
    %dot_general3A_32 = arith.constant dense<0.000000e+00> : vector<512x128xf32>
    %dot_general3A_33 = tpu.matmul %convert_element_type3A_28, %get3A_31, %dot_general3A_32 {dimension_numbers = #tpu.dot_dimension_numbers<[1], [0], [0], [1], [0, 0, 1, 1], [], []>, transpose_lhs_hint = false} : vector<512x1024xbf16>, vector<1024x128xbf16>, vector<512x128xf32> -> vector<512x128xf32>
    %slice3A_34 = vector.extract_strided_slice %dot_general3A_33 {offsets = [0, 127], sizes = [512, 1], strides = [1, 1]} : vector<512x128xf32> to vector<512x1xf32>
    %get3A_35 = arith.constant 0 : index
    %get3A_36 = arith.constant 0 : index
    %get3A_37 = vector.load %arg8[%get3A_35, %get3A_36] : memref<512x128xf32, #tpu.memory_space<vmem>>, vector<512x1xf32>
    %iota3A_38 = tpu.iota {dimensions = array<i32: 1>} : vector<512x512xi32>
    %convert_element_type3A_39 = arith.sitofp %iota3A_38 : vector<512x512xi32> to vector<512x512xf32>
    %get3A_40 = arith.constant 0 : index
    %get3A_41 = arith.constant 0 : index
    %get3A_42 = vector.load %arg6[%get3A_40, %get3A_41] : memref<512x128xbf16, #tpu.memory_space<vmem>>, vector<512x128xbf16>
    %dot_general3A_43 = arith.constant dense<0.000000e+00> : vector<512x512xf32>
    %dot_general3A_44 = tpu.matmul %get3A_1, %get3A_42, %dot_general3A_43 {dimension_numbers = #tpu.dot_dimension_numbers<[1], [1], [0], [0], [0, 0, 1, 0], [], []>, transpose_lhs_hint = false} : vector<512x128xbf16>, vector<512x128xbf16>, vector<512x512xf32> -> vector<512x512xf32>
    %mul3A_45 = arith.constant 0.102062076 : f32
    %mul3A_46 = vector.broadcast %mul3A_45 : f32 to vector<512x512xf32>
    %mul3A_47 = arith.mulf %dot_general3A_44, %mul3A_46 : vector<512x512xf32>
    %lt3A = vector.broadcast %get3A_37 : vector<512x1xf32> to vector<512x512xf32>
    %lt3A_48 = arith.cmpf olt, %convert_element_type3A_39, %lt3A : vector<512x512xf32>
    %jit3A_49 = arith.constant -1.000000e+09 : f32
    %broadcast_in_dim3A_50 = vector.broadcast %jit3A_49 : f32 to vector<512x512xf32>
    %select_n3A_51 = arith.select %lt3A_48, %mul3A_47, %broadcast_in_dim3A_50 : vector<512x512xi1>, vector<512x512xf32>
    %reduce_max3A = arith.constant dense<0xFF800000> : vector<512xf32>
    %reduce_max3A_52 = vector.multi_reduction <maximumf>, %select_n3A_51, %reduce_max3A [1] : vector<512x512xf32> to vector<512xf32>
    %broadcast_in_dim3A_53 = vector.shape_cast %reduce_max3A_52 : vector<512xf32> to vector<512x1xf32>
    %sub3A = vector.broadcast %broadcast_in_dim3A_53 : vector<512x1xf32> to vector<512x512xf32>
    %sub3A_54 = arith.subf %select_n3A_51, %sub3A : vector<512x512xf32>
    %exp3A_55 = math.exp %sub3A_54 : vector<512x512xf32>
    %convert_element_type3A_56 = arith.truncf %exp3A_55 : vector<512x512xf32> to vector<512x512xbf16>
    %get3A_57 = arith.constant 0 : index
    %get3A_58 = arith.constant 0 : index
    %get3A_59 = vector.load %arg7[%get3A_57, %get3A_58] : memref<512x128xbf16, #tpu.memory_space<vmem>>, vector<512x128xbf16>
    %dot_general3A_60 = arith.constant dense<0.000000e+00> : vector<512x128xf32>
    %dot_general3A_61 = tpu.matmul %convert_element_type3A_56, %get3A_59, %dot_general3A_60 {dimension_numbers = #tpu.dot_dimension_numbers<[1], [0], [0], [1], [0, 0, 1, 1], [], []>, transpose_lhs_hint = false} : vector<512x512xbf16>, vector<512x128xbf16>, vector<512x128xf32> -> vector<512x128xf32>
    %slice3A_62 = vector.extract_strided_slice %dot_general3A_61 {offsets = [0, 127], sizes = [512, 1], strides = [1, 1]} : vector<512x128xf32> to vector<512x1xf32>
    %get3A_63 = arith.constant 0 : index
    %get3A_64 = arith.constant 0 : index
    %get3A_65 = vector.load %arg9[%get3A_63, %get3A_64] : memref<8x384xf32, #tpu.memory_space<vmem>>, vector<1x128xf32>
    %get3A_66 = arith.constant 0 : index
    %get3A_67 = arith.constant 128 : index
    %get3A_68 = vector.load %arg9[%get3A_66, %get3A_67] : memref<8x384xf32, #tpu.memory_space<vmem>>, vector<1x128xf32>
    %get3A_69 = arith.constant 0 : index
    %get3A_70 = arith.constant 256 : index
    %get3A_71 = vector.load %arg9[%get3A_69, %get3A_70] : memref<8x384xf32, #tpu.memory_space<vmem>>, vector<1x128xf32>
    %div3A = vector.broadcast %get3A_65 : vector<1x128xf32> to vector<512x128xf32>
    %div3A_72 = vector.broadcast %slice3A : vector<512x1xf32> to vector<512x128xf32>
    %div3A_73 = arith.divf %div3A, %div3A_72 : vector<512x128xf32>
    %mul3A_74 = arith.mulf %dot_general3A_15, %div3A_73 : vector<512x128xf32>
    %div3A_75 = vector.broadcast %get3A_68 : vector<1x128xf32> to vector<512x128xf32>
    %div3A_76 = vector.broadcast %slice3A_62 : vector<512x1xf32> to vector<512x128xf32>
    %div3A_77 = arith.divf %div3A_75, %div3A_76 : vector<512x128xf32>
    %mul3A_78 = arith.mulf %dot_general3A_61, %div3A_77 : vector<512x128xf32>
    %add3A_79 = arith.addf %mul3A_74, %mul3A_78 : vector<512x128xf32>
    %div3A_80 = vector.broadcast %get3A_71 : vector<1x128xf32> to vector<512x128xf32>
    %div3A_81 = vector.broadcast %slice3A_34 : vector<512x1xf32> to vector<512x128xf32>
    %div3A_82 = arith.divf %div3A_80, %div3A_81 : vector<512x128xf32>
    %mul3A_83 = arith.mulf %dot_general3A_33, %div3A_82 : vector<512x128xf32>
    %add3A_84 = arith.addf %add3A_79, %mul3A_83 : vector<512x128xf32>
    %convert_element_type3A_85 = arith.truncf %add3A_84 : vector<512x128xf32> to vector<512x128xbf16>
    %get3A_86 = arith.constant 0 : index
    %get3A_87 = arith.constant 0 : index
    %get3A_88 = vector.load %arg10[%get3A_86, %get3A_87] : memref<128x1024xbf16, #tpu.memory_space<vmem>>, vector<128x1024xbf16>
    %dot_general3A_89 = arith.constant dense<0.000000e+00> : vector<512x1024xf32>
    %dot_general3A_90 = tpu.matmul %convert_element_type3A_85, %get3A_88, %dot_general3A_89 {dimension_numbers = #tpu.dot_dimension_numbers<[1], [0], [0], [1], [0, 0, 1, 1], [], []>, transpose_lhs_hint = false} : vector<512x128xbf16>, vector<128x1024xbf16>, vector<512x1024xf32> -> vector<512x1024xf32>
    %eq3A = arith.constant 0 : i32
    %eq3A_91 = arith.cmpi eq, %arg0, %eq3A : i32
    %convert_element_type3A_92 = arith.extui %eq3A_91 : i1 to i32
    %cond3A = arith.constant 0 : i32
    %cond3A_93 = arith.cmpi ne, %convert_element_type3A_92, %cond3A : i32
    scf.if %cond3A_93 {
      %swap3A = arith.constant 0 : index
      %swap3A_98 = arith.constant 0 : index
      %swap3A_99 = vector.load %arg11[%swap3A, %swap3A_98] : memref<512x1024xf32, #tpu.memory_space<vmem>>, vector<512x1024xf32>
      tpu.vector_store %arg11[%swap3A, %swap3A_98], %dot_general3A_90 {strides = array<i32>} : memref<512x1024xf32, #tpu.memory_space<vmem>>, vector<512x1024xf32>,
    } else {
    }
    %ne3A = arith.constant 0 : i32
    %ne3A_94 = arith.cmpi ne, %arg0, %ne3A : i32
    %convert_element_type3A_95 = arith.extui %ne3A_94 : i1 to i32
    %cond3A_96 = arith.constant 0 : i32
    %cond3A_97 = arith.cmpi ne, %convert_element_type3A_95, %cond3A_96 : i32
    scf.if %cond3A_97 {
      %get3A_98 = arith.constant 0 : index
      %get3A_99 = arith.constant 0 : index
      %get3A_100 = vector.load %arg11[%get3A_98, %get3A_99] : memref<512x1024xf32, #tpu.memory_space<vmem>>, vector<512x1024xf32>
      %add3A_101 = arith.addf %get3A_100, %dot_general3A_90 : vector<512x1024xf32>
      %swap3A = arith.constant 0 : index
      %swap3A_102 = arith.constant 0 : index
      %swap3A_103 = vector.load %arg11[%swap3A, %swap3A_102] : memref<512x1024xf32, #tpu.memory_space<vmem>>, vector<512x1024xf32>
      tpu.vector_store %arg11[%swap3A, %swap3A_102], %add3A_101 {strides = array<i32>} : memref<512x1024xf32, #tpu.memory_space<vmem>>, vector<512x1024xf32>,
    } else {
    }
    return
  }
  func.func @transform_0(%arg0: i32) -> (i32, i32) {
    %c1_i32 = arith.constant 1 : i32
    %c0_i32 = arith.constant 0 : i32
    return %c1_i32, %arg0 : i32, i32
  }
  func.func @transform_1(%arg0: i32) -> (i32, i32) {
    %c0_i32 = arith.constant 0 : i32
    %c0_i32_0 = arith.constant 0 : i32
    return %c0_i32, %arg0 : i32, i32
  }
  func.func @transform_2(%arg0: i32) -> (i32, i32) {
    %c0_i32 = arith.constant 0 : i32
    %c0_i32_0 = arith.constant 0 : i32
    return %c0_i32, %arg0 : i32, i32
  }
  func.func @transform_3(%arg0: i32) -> (i32, i32) {
    %c0_i32 = arith.constant 0 : i32
    %c0_i32_0 = arith.constant 0 : i32
    return %c0_i32, %arg0 : i32, i32
  }
  func.func @transform_4(%arg0: i32) -> (i32, i32) {
    %c0_i32 = arith.constant 0 : i32
    %c0_i32_0 = arith.constant 0 : i32
    return %c0_i32, %arg0 : i32, i32
  }
  func.func @transform_5(%arg0: i32) -> (i32, i32) {
    %c0_i32 = arith.constant 0 : i32
    %c0_i32_0 = arith.constant 0 : i32
    return %c0_i32, %arg0 : i32, i32
  }
  func.func @transform_6(%arg0: i32) -> (i32, i32) {
    %c0_i32 = arith.constant 0 : i32
    %c0_i32_0 = arith.constant 0 : i32
    return %c0_i32, %arg0 : i32, i32
  }
  func.func @transform_7(%arg0: i32) -> (i32, i32) {
    %c1_i32 = arith.constant 1 : i32
    %c0_i32 = arith.constant 0 : i32
    %c0_i32_0 = arith.constant 0 : i32
    return %c1_i32, %c0_i32 : i32, i32
  }
  func.func @transform_8(%arg0: i32) -> (i32, i32) {
    %c0_i32 = arith.constant 0 : i32
    %c0_i32_0 = arith.constant 0 : i32
    %c0_i32_1 = arith.constant 0 : i32
    return %c0_i32, %c0_i32_0 : i32, i32
  }
  func.func @transform_9(%arg0: i32) -> (i32, i32) {
    %c0_i32 = arith.constant 0 : i32
    %c0_i32_0 = arith.constant 0 : i32
    return %arg0, %c0_i32 : i32, i32
  }
  func.func @transform_10(%arg0: i32) -> (i32, i32) {
    %c0_i32 = arith.constant 0 : i32
    %c0_i32_0 = arith.constant 0 : i32
    %c0_i32_1 = arith.constant 0 : i32
    return %c0_i32, %c0_i32_0 : i32, i32
  }
}

module attributes {stable_mosaic.version = 14 : i64} {
  func.func @_attn_kernel(%arg0: i32, %arg1: memref<512x128xbf16, #tpu.memory_space<vmem>>, %arg2: memref<1536x128xbf16, #tpu.memory_space<vmem>>, %arg3: memref<1536x128xbf16, #tpu.memory_space<vmem>>, %arg4: memref<1536x128xbf16, #tpu.memory_space<vmem>>, %arg5: memref<1536x128xbf16, #tpu.memory_space<vmem>>, %arg6: memref<512x128xbf16, #tpu.memory_space<vmem>>, %arg7: memref<512x128xbf16, #tpu.memory_space<vmem>>, %arg8: memref<512x128xf32, #tpu.memory_space<vmem>>, %arg9: memref<8x384xf32, #tpu.memory_space<vmem>>, %arg10: memref<128x1024xbf16, #tpu.memory_space<vmem>>, %arg11: memref<512x1024xf32, #tpu.memory_space<vmem>>) attributes {dimension_semantics = [#tpu.dimension_semantics<arbitrary>], iteration_bounds = array<i64: 16>, scalar_prefetch = 0 : i64, scratch_operands = 0 : i64, tpu.core_type = #tpu.core_type<tc>, window_params = [{transform_indices = @transform_0, window_bounds = array<i64: 512, 128>}, {transform_indices = @transform_1, window_bounds = array<i64: 1536, 128>}, {transform_indices = @transform_2, window_bounds = array<i64: 1536, 128>}, {transform_indices = @transform_3, window_bounds = array<i64: 1536, 128>}, {transform_indices = @transform_4, window_bounds = array<i64: 1536, 128>}, {transform_indices = @transform_5, window_bounds = array<i64: 512, 128>}, {transform_indices = @transform_6, window_bounds = array<i64: 512, 128>}, {transform_indices = @transform_7, window_bounds = array<i64: 512, 128>}, {pipeline_mode = #tpu.pipeline_mode<synchronous>, transform_indices = @transform_8, window_bounds = array<i64: 8, 384>}, {transform_indices = @transform_9, window_bounds = array<i64: 128, 1024>}, {pipeline_mode = #tpu.pipeline_mode<synchronous>, transform_indices = @transform_10, window_bounds = array<i64: 512, 1024>}]} {
    %get3A = arith.constant 0 : index
    %get3A_0 = arith.constant 0 : index
    %get3A_1 = vector.load %arg1[%get3A, %get3A_0] : memref<512x128xbf16, #tpu.memory_space<vmem>>, vector<512x128xbf16>
    %iota3A = tpu.iota {dimensions = array<i32: 0>} : vector<512x1536xi32>
    %add3A = arith.constant 1024 : i32
    %add3A_2 = vector.broadcast %add3A : i32 to vector<512x1536xi32>
    %add3A_3 = arith.addi %add3A_2, %iota3A : vector<512x1536xi32>
    %iota3A_4 = tpu.iota {dimensions = array<i32: 1>} : vector<512x1536xi32>
    %le3A = arith.cmpi sle, %iota3A_4, %add3A_3 : vector<512x1536xi32>
    %get3A_5 = arith.constant 0 : index
    %get3A_6 = arith.constant 0 : index
    %get3A_7 = vector.load %arg2[%get3A_5, %get3A_6] : memref<1536x128xbf16, #tpu.memory_space<vmem>>, vector<1536x128xbf16>
    %dot_general3A = arith.constant dense<0.000000e+00> : vector<512x1536xf32>
    %dot_general3A_8 = tpu.matmul %get3A_1, %get3A_7, %dot_general3A {dimension_numbers = #tpu.dot_dimension_numbers<[1], [1], [0], [0], [0, 0, 1, 0], [], []>, transpose_lhs_hint = false} : vector<512x128xbf16>, vector<1536x128xbf16>, vector<512x1536xf32> -> vector<512x1536xf32>
    %mul3A = arith.constant 0.102062076 : f32
    %mul3A_9 = vector.broadcast %mul3A : f32 to vector<512x1536xf32>
    %mul3A_10 = arith.mulf %dot_general3A_8, %mul3A_9 : vector<512x1536xf32>
    %exp3A = math.exp %mul3A_10 : vector<512x1536xf32>
    %jit3A = arith.constant 0.000000e+00 : f32
    %broadcast_in_dim3A = vector.broadcast %jit3A : f32 to vector<512x1536xf32>
    %select_n3A = arith.select %le3A, %exp3A, %broadcast_in_dim3A : vector<512x1536xi1>, vector<512x1536xf32>
    %convert_element_type3A = arith.truncf %select_n3A : vector<512x1536xf32> to vector<512x1536xbf16>
    %get3A_11 = arith.constant 0 : index
    %get3A_12 = arith.constant 0 : index
    %get3A_13 = vector.load %arg3[%get3A_11, %get3A_12] : memref<1536x128xbf16, #tpu.memory_space<vmem>>, vector<1536x128xbf16>
    %dot_general3A_14 = arith.constant dense<0.000000e+00> : vector<512x128xf32>
    %dot_general3A_15 = tpu.matmul %convert_element_type3A, %get3A_13, %dot_general3A_14 {dimension_numbers = #tpu.dot_dimension_numbers<[1], [0], [0], [1], [0, 0, 1, 1], [], []>, transpose_lhs_hint = false} : vector<512x1536xbf16>, vector<1536x128xbf16>, vector<512x128xf32> -> vector<512x128xf32>
    %slice3A = vector.extract_strided_slice %dot_general3A_15 {offsets = [0, 127], sizes = [512, 1], strides = [1, 1]} : vector<512x128xf32> to vector<512x1xf32>
    %get3A_16 = arith.constant 0 : index
    %get3A_17 = arith.constant 0 : index
    %get3A_18 = vector.load %arg4[%get3A_16, %get3A_17] : memref<1536x128xbf16, #tpu.memory_space<vmem>>, vector<1536x128xbf16>
    %dot_general3A_19 = arith.constant dense<0.000000e+00> : vector<512x1536xf32>
    %dot_general3A_20 = tpu.matmul %get3A_1, %get3A_18, %dot_general3A_19 {dimension_numbers = #tpu.dot_dimension_numbers<[1], [1], [0], [0], [0, 0, 1, 0], [], []>, transpose_lhs_hint = false} : vector<512x128xbf16>, vector<1536x128xbf16>, vector<512x1536xf32> -> vector<512x1536xf32>
    %mul3A_21 = arith.constant 0.102062076 : f32
    %mul3A_22 = vector.broadcast %mul3A_21 : f32 to vector<512x1536xf32>
    %mul3A_23 = arith.mulf %dot_general3A_20, %mul3A_22 : vector<512x1536xf32>
    %exp3A_24 = math.exp %mul3A_23 : vector<512x1536xf32>
    %jit3A_25 = arith.constant 0.000000e+00 : f32
    %broadcast_in_dim3A_26 = vector.broadcast %jit3A_25 : f32 to vector<512x1536xf32>
    %select_n3A_27 = arith.select %le3A, %exp3A_24, %broadcast_in_dim3A_26 : vector<512x1536xi1>, vector<512x1536xf32>
    %convert_element_type3A_28 = arith.truncf %select_n3A_27 : vector<512x1536xf32> to vector<512x1536xbf16>
    %get3A_29 = arith.constant 0 : index
    %get3A_30 = arith.constant 0 : index
    %get3A_31 = vector.load %arg5[%get3A_29, %get3A_30] : memref<1536x128xbf16, #tpu.memory_space<vmem>>, vector<1536x128xbf16>
    %dot_general3A_32 = arith.constant dense<0.000000e+00> : vector<512x128xf32>
    %dot_general3A_33 = tpu.matmul %convert_element_type3A_28, %get3A_31, %dot_general3A_32 {dimension_numbers = #tpu.dot_dimension_numbers<[1], [0], [0], [1], [0, 0, 1, 1], [], []>, transpose_lhs_hint = false} : vector<512x1536xbf16>, vector<1536x128xbf16>, vector<512x128xf32> -> vector<512x128xf32>
    %slice3A_34 = vector.extract_strided_slice %dot_general3A_33 {offsets = [0, 127], sizes = [512, 1], strides = [1, 1]} : vector<512x128xf32> to vector<512x1xf32>
    %get3A_35 = arith.constant 0 : index
    %get3A_36 = arith.constant 0 : index
    %get3A_37 = vector.load %arg8[%get3A_35, %get3A_36] : memref<512x128xf32, #tpu.memory_space<vmem>>, vector<512x1xf32>
    %iota3A_38 = tpu.iota {dimensions = array<i32: 1>} : vector<512x512xi32>
    %convert_element_type3A_39 = arith.sitofp %iota3A_38 : vector<512x512xi32> to vector<512x512xf32>
    %get3A_40 = arith.constant 0 : index
    %get3A_41 = arith.constant 0 : index
    %get3A_42 = vector.load %arg6[%get3A_40, %get3A_41] : memref<512x128xbf16, #tpu.memory_space<vmem>>, vector<512x128xbf16>
    %dot_general3A_43 = arith.constant dense<0.000000e+00> : vector<512x512xf32>
    %dot_general3A_44 = tpu.matmul %get3A_1, %get3A_42, %dot_general3A_43 {dimension_numbers = #tpu.dot_dimension_numbers<[1], [1], [0], [0], [0, 0, 1, 0], [], []>, transpose_lhs_hint = false} : vector<512x128xbf16>, vector<512x128xbf16>, vector<512x512xf32> -> vector<512x512xf32>
    %mul3A_45 = arith.constant 0.102062076 : f32
    %mul3A_46 = vector.broadcast %mul3A_45 : f32 to vector<512x512xf32>
    %mul3A_47 = arith.mulf %dot_general3A_44, %mul3A_46 : vector<512x512xf32>
    %lt3A = vector.broadcast %get3A_37 : vector<512x1xf32> to vector<512x512xf32>
    %lt3A_48 = arith.cmpf olt, %convert_element_type3A_39, %lt3A : vector<512x512xf32>
    %jit3A_49 = arith.constant -1.000000e+09 : f32
    %broadcast_in_dim3A_50 = vector.broadcast %jit3A_49 : f32 to vector<512x512xf32>
    %select_n3A_51 = arith.select %lt3A_48, %mul3A_47, %broadcast_in_dim3A_50 : vector<512x512xi1>, vector<512x512xf32>
    %reduce_max3A = arith.constant dense<0xFF800000> : vector<512xf32>
    %reduce_max3A_52 = vector.multi_reduction <maximumf>, %select_n3A_51, %reduce_max3A [1] : vector<512x512xf32> to vector<512xf32>
    %broadcast_in_dim3A_53 = vector.shape_cast %reduce_max3A_52 : vector<512xf32> to vector<512x1xf32>
    %sub3A = vector.broadcast %broadcast_in_dim3A_53 : vector<512x1xf32> to vector<512x512xf32>
    %sub3A_54 = arith.subf %select_n3A_51, %sub3A : vector<512x512xf32>
    %exp3A_55 = math.exp %sub3A_54 : vector<512x512xf32>
    %convert_element_type3A_56 = arith.truncf %exp3A_55 : vector<512x512xf32> to vector<512x512xbf16>
    %get3A_57 = arith.constant 0 : index
    %get3A_58 = arith.constant 0 : index
    %get3A_59 = vector.load %arg7[%get3A_57, %get3A_58] : memref<512x128xbf16, #tpu.memory_space<vmem>>, vector<512x128xbf16>
    %dot_general3A_60 = arith.constant dense<0.000000e+00> : vector<512x128xf32>
    %dot_general3A_61 = tpu.matmul %convert_element_type3A_56, %get3A_59, %dot_general3A_60 {dimension_numbers = #tpu.dot_dimension_numbers<[1], [0], [0], [1], [0, 0, 1, 1], [], []>, transpose_lhs_hint = false} : vector<512x512xbf16>, vector<512x128xbf16>, vector<512x128xf32> -> vector<512x128xf32>
    %slice3A_62 = vector.extract_strided_slice %dot_general3A_61 {offsets = [0, 127], sizes = [512, 1], strides = [1, 1]} : vector<512x128xf32> to vector<512x1xf32>
    %get3A_63 = arith.constant 0 : index
    %get3A_64 = arith.constant 0 : index
    %get3A_65 = vector.load %arg9[%get3A_63, %get3A_64] : memref<8x384xf32, #tpu.memory_space<vmem>>, vector<1x128xf32>
    %get3A_66 = arith.constant 0 : index
    %get3A_67 = arith.constant 128 : index
    %get3A_68 = vector.load %arg9[%get3A_66, %get3A_67] : memref<8x384xf32, #tpu.memory_space<vmem>>, vector<1x128xf32>
    %get3A_69 = arith.constant 0 : index
    %get3A_70 = arith.constant 256 : index
    %get3A_71 = vector.load %arg9[%get3A_69, %get3A_70] : memref<8x384xf32, #tpu.memory_space<vmem>>, vector<1x128xf32>
    %div3A = vector.broadcast %get3A_65 : vector<1x128xf32> to vector<512x128xf32>
    %div3A_72 = vector.broadcast %slice3A : vector<512x1xf32> to vector<512x128xf32>
    %div3A_73 = arith.divf %div3A, %div3A_72 : vector<512x128xf32>
    %mul3A_74 = arith.mulf %dot_general3A_15, %div3A_73 : vector<512x128xf32>
    %div3A_75 = vector.broadcast %get3A_68 : vector<1x128xf32> to vector<512x128xf32>
    %div3A_76 = vector.broadcast %slice3A_62 : vector<512x1xf32> to vector<512x128xf32>
    %div3A_77 = arith.divf %div3A_75, %div3A_76 : vector<512x128xf32>
    %mul3A_78 = arith.mulf %dot_general3A_61, %div3A_77 : vector<512x128xf32>
    %add3A_79 = arith.addf %mul3A_74, %mul3A_78 : vector<512x128xf32>
    %div3A_80 = vector.broadcast %get3A_71 : vector<1x128xf32> to vector<512x128xf32>
    %div3A_81 = vector.broadcast %slice3A_34 : vector<512x1xf32> to vector<512x128xf32>
    %div3A_82 = arith.divf %div3A_80, %div3A_81 : vector<512x128xf32>
    %mul3A_83 = arith.mulf %dot_general3A_33, %div3A_82 : vector<512x128xf32>
    %add3A_84 = arith.addf %add3A_79, %mul3A_83 : vector<512x128xf32>
    %convert_element_type3A_85 = arith.truncf %add3A_84 : vector<512x128xf32> to vector<512x128xbf16>
    %get3A_86 = arith.constant 0 : index
    %get3A_87 = arith.constant 0 : index
    %get3A_88 = vector.load %arg10[%get3A_86, %get3A_87] : memref<128x1024xbf16, #tpu.memory_space<vmem>>, vector<128x1024xbf16>
    %dot_general3A_89 = arith.constant dense<0.000000e+00> : vector<512x1024xf32>
    %dot_general3A_90 = tpu.matmul %convert_element_type3A_85, %get3A_88, %dot_general3A_89 {dimension_numbers = #tpu.dot_dimension_numbers<[1], [0], [0], [1], [0, 0, 1, 1], [], []>, transpose_lhs_hint = false} : vector<512x128xbf16>, vector<128x1024xbf16>, vector<512x1024xf32> -> vector<512x1024xf32>
    %eq3A = arith.constant 0 : i32
    %eq3A_91 = arith.cmpi eq, %arg0, %eq3A : i32
    %convert_element_type3A_92 = arith.extui %eq3A_91 : i1 to i32
    %cond3A = arith.constant 0 : i32
    %cond3A_93 = arith.cmpi ne, %convert_element_type3A_92, %cond3A : i32
    scf.if %cond3A_93 {
      %swap3A = arith.constant 0 : index
      %swap3A_98 = arith.constant 0 : index
      %swap3A_99 = vector.load %arg11[%swap3A, %swap3A_98] : memref<512x1024xf32, #tpu.memory_space<vmem>>, vector<512x1024xf32>
      tpu.vector_store %arg11[%swap3A, %swap3A_98], %dot_general3A_90 {strides = array<i32>} : memref<512x1024xf32, #tpu.memory_space<vmem>>, vector<512x1024xf32>,
    } else {
    }
    %ne3A = arith.constant 0 : i32
    %ne3A_94 = arith.cmpi ne, %arg0, %ne3A : i32
    %convert_element_type3A_95 = arith.extui %ne3A_94 : i1 to i32
    %cond3A_96 = arith.constant 0 : i32
    %cond3A_97 = arith.cmpi ne, %convert_element_type3A_95, %cond3A_96 : i32
    scf.if %cond3A_97 {
      %get3A_98 = arith.constant 0 : index
      %get3A_99 = arith.constant 0 : index
      %get3A_100 = vector.load %arg11[%get3A_98, %get3A_99] : memref<512x1024xf32, #tpu.memory_space<vmem>>, vector<512x1024xf32>
      %add3A_101 = arith.addf %get3A_100, %dot_general3A_90 : vector<512x1024xf32>
      %swap3A = arith.constant 0 : index
      %swap3A_102 = arith.constant 0 : index
      %swap3A_103 = vector.load %arg11[%swap3A, %swap3A_102] : memref<512x1024xf32, #tpu.memory_space<vmem>>, vector<512x1024xf32>
      tpu.vector_store %arg11[%swap3A, %swap3A_102], %add3A_101 {strides = array<i32>} : memref<512x1024xf32, #tpu.memory_space<vmem>>, vector<512x1024xf32>,
    } else {
    }
    return
  }
  func.func @transform_0(%arg0: i32) -> (i32, i32) {
    %c2_i32 = arith.constant 2 : i32
    %c0_i32 = arith.constant 0 : i32
    return %c2_i32, %arg0 : i32, i32
  }
  func.func @transform_1(%arg0: i32) -> (i32, i32) {
    %c0_i32 = arith.constant 0 : i32
    %c0_i32_0 = arith.constant 0 : i32
    return %c0_i32, %arg0 : i32, i32
  }
  func.func @transform_2(%arg0: i32) -> (i32, i32) {
    %c0_i32 = arith.constant 0 : i32
    %c0_i32_0 = arith.constant 0 : i32
    return %c0_i32, %arg0 : i32, i32
  }
  func.func @transform_3(%arg0: i32) -> (i32, i32) {
    %c0_i32 = arith.constant 0 : i32
    %c0_i32_0 = arith.constant 0 : i32
    return %c0_i32, %arg0 : i32, i32
  }
  func.func @transform_4(%arg0: i32) -> (i32, i32) {
    %c0_i32 = arith.constant 0 : i32
    %c0_i32_0 = arith.constant 0 : i32
    return %c0_i32, %arg0 : i32, i32
  }
  func.func @transform_5(%arg0: i32) -> (i32, i32) {
    %c0_i32 = arith.constant 0 : i32
    %c0_i32_0 = arith.constant 0 : i32
    return %c0_i32, %arg0 : i32, i32
  }
  func.func @transform_6(%arg0: i32) -> (i32, i32) {
    %c0_i32 = arith.constant 0 : i32
    %c0_i32_0 = arith.constant 0 : i32
    return %c0_i32, %arg0 : i32, i32
  }
  func.func @transform_7(%arg0: i32) -> (i32, i32) {
    %c2_i32 = arith.constant 2 : i32
    %c0_i32 = arith.constant 0 : i32
    %c0_i32_0 = arith.constant 0 : i32
    return %c2_i32, %c0_i32 : i32, i32
  }
  func.func @transform_8(%arg0: i32) -> (i32, i32) {
    %c0_i32 = arith.constant 0 : i32
    %c0_i32_0 = arith.constant 0 : i32
    %c0_i32_1 = arith.constant 0 : i32
    return %c0_i32, %c0_i32_0 : i32, i32
  }
  func.func @transform_9(%arg0: i32) -> (i32, i32) {
    %c0_i32 = arith.constant 0 : i32
    %c0_i32_0 = arith.constant 0 : i32
    return %arg0, %c0_i32 : i32, i32
  }
  func.func @transform_10(%arg0: i32) -> (i32, i32) {
    %c0_i32 = arith.constant 0 : i32
    %c0_i32_0 = arith.constant 0 : i32
    %c0_i32_1 = arith.constant 0 : i32
    return %c0_i32, %c0_i32_0 : i32, i32
  }
}

module attributes {stable_mosaic.version = 14 : i64} {
  func.func @_attn_kernel(%arg0: i32, %arg1: memref<512x128xbf16, #tpu.memory_space<vmem>>, %arg2: memref<2048x128xbf16, #tpu.memory_space<vmem>>, %arg3: memref<2048x128xbf16, #tpu.memory_space<vmem>>, %arg4: memref<2048x128xbf16, #tpu.memory_space<vmem>>, %arg5: memref<2048x128xbf16, #tpu.memory_space<vmem>>, %arg6: memref<512x128xbf16, #tpu.memory_space<vmem>>, %arg7: memref<512x128xbf16, #tpu.memory_space<vmem>>, %arg8: memref<512x128xf32, #tpu.memory_space<vmem>>, %arg9: memref<8x384xf32, #tpu.memory_space<vmem>>, %arg10: memref<128x1024xbf16, #tpu.memory_space<vmem>>, %arg11: memref<512x1024xf32, #tpu.memory_space<vmem>>) attributes {dimension_semantics = [#tpu.dimension_semantics<arbitrary>], iteration_bounds = array<i64: 16>, scalar_prefetch = 0 : i64, scratch_operands = 0 : i64, tpu.core_type = #tpu.core_type<tc>, window_params = [{transform_indices = @transform_0, window_bounds = array<i64: 512, 128>}, {transform_indices = @transform_1, window_bounds = array<i64: 2048, 128>}, {transform_indices = @transform_2, window_bounds = array<i64: 2048, 128>}, {transform_indices = @transform_3, window_bounds = array<i64: 2048, 128>}, {transform_indices = @transform_4, window_bounds = array<i64: 2048, 128>}, {transform_indices = @transform_5, window_bounds = array<i64: 512, 128>}, {transform_indices = @transform_6, window_bounds = array<i64: 512, 128>}, {transform_indices = @transform_7, window_bounds = array<i64: 512, 128>}, {pipeline_mode = #tpu.pipeline_mode<synchronous>, transform_indices = @transform_8, window_bounds = array<i64: 8, 384>}, {transform_indices = @transform_9, window_bounds = array<i64: 128, 1024>}, {pipeline_mode = #tpu.pipeline_mode<synchronous>, transform_indices = @transform_10, window_bounds = array<i64: 512, 1024>}]} {
    %get3A = arith.constant 0 : index
    %get3A_0 = arith.constant 0 : index
    %get3A_1 = vector.load %arg1[%get3A, %get3A_0] : memref<512x128xbf16, #tpu.memory_space<vmem>>, vector<512x128xbf16>
    %iota3A = tpu.iota {dimensions = array<i32: 0>} : vector<512x2048xi32>
    %add3A = arith.constant 1536 : i32
    %add3A_2 = vector.broadcast %add3A : i32 to vector<512x2048xi32>
    %add3A_3 = arith.addi %add3A_2, %iota3A : vector<512x2048xi32>
    %iota3A_4 = tpu.iota {dimensions = array<i32: 1>} : vector<512x2048xi32>
    %le3A = arith.cmpi sle, %iota3A_4, %add3A_3 : vector<512x2048xi32>
    %get3A_5 = arith.constant 0 : index
    %get3A_6 = arith.constant 0 : index
    %get3A_7 = vector.load %arg2[%get3A_5, %get3A_6] : memref<2048x128xbf16, #tpu.memory_space<vmem>>, vector<2048x128xbf16>
    %dot_general3A = arith.constant dense<0.000000e+00> : vector<512x2048xf32>
    %dot_general3A_8 = tpu.matmul %get3A_1, %get3A_7, %dot_general3A {dimension_numbers = #tpu.dot_dimension_numbers<[1], [1], [0], [0], [0, 0, 1, 0], [], []>, transpose_lhs_hint = false} : vector<512x128xbf16>, vector<2048x128xbf16>, vector<512x2048xf32> -> vector<512x2048xf32>
    %mul3A = arith.constant 0.102062076 : f32
    %mul3A_9 = vector.broadcast %mul3A : f32 to vector<512x2048xf32>
    %mul3A_10 = arith.mulf %dot_general3A_8, %mul3A_9 : vector<512x2048xf32>
    %exp3A = math.exp %mul3A_10 : vector<512x2048xf32>
    %jit3A = arith.constant 0.000000e+00 : f32
    %broadcast_in_dim3A = vector.broadcast %jit3A : f32 to vector<512x2048xf32>
    %select_n3A = arith.select %le3A, %exp3A, %broadcast_in_dim3A : vector<512x2048xi1>, vector<512x2048xf32>
    %convert_element_type3A = arith.truncf %select_n3A : vector<512x2048xf32> to vector<512x2048xbf16>
    %get3A_11 = arith.constant 0 : index
    %get3A_12 = arith.constant 0 : index
    %get3A_13 = vector.load %arg3[%get3A_11, %get3A_12] : memref<2048x128xbf16, #tpu.memory_space<vmem>>, vector<2048x128xbf16>
    %dot_general3A_14 = arith.constant dense<0.000000e+00> : vector<512x128xf32>
    %dot_general3A_15 = tpu.matmul %convert_element_type3A, %get3A_13, %dot_general3A_14 {dimension_numbers = #tpu.dot_dimension_numbers<[1], [0], [0], [1], [0, 0, 1, 1], [], []>, transpose_lhs_hint = false} : vector<512x2048xbf16>, vector<2048x128xbf16>, vector<512x128xf32> -> vector<512x128xf32>
    %slice3A = vector.extract_strided_slice %dot_general3A_15 {offsets = [0, 127], sizes = [512, 1], strides = [1, 1]} : vector<512x128xf32> to vector<512x1xf32>
    %get3A_16 = arith.constant 0 : index
    %get3A_17 = arith.constant 0 : index
    %get3A_18 = vector.load %arg4[%get3A_16, %get3A_17] : memref<2048x128xbf16, #tpu.memory_space<vmem>>, vector<2048x128xbf16>
    %dot_general3A_19 = arith.constant dense<0.000000e+00> : vector<512x2048xf32>
    %dot_general3A_20 = tpu.matmul %get3A_1, %get3A_18, %dot_general3A_19 {dimension_numbers = #tpu.dot_dimension_numbers<[1], [1], [0], [0], [0, 0, 1, 0], [], []>, transpose_lhs_hint = false} : vector<512x128xbf16>, vector<2048x128xbf16>, vector<512x2048xf32> -> vector<512x2048xf32>
    %mul3A_21 = arith.constant 0.102062076 : f32
    %mul3A_22 = vector.broadcast %mul3A_21 : f32 to vector<512x2048xf32>
    %mul3A_23 = arith.mulf %dot_general3A_20, %mul3A_22 : vector<512x2048xf32>
    %exp3A_24 = math.exp %mul3A_23 : vector<512x2048xf32>
    %jit3A_25 = arith.constant 0.000000e+00 : f32
    %broadcast_in_dim3A_26 = vector.broadcast %jit3A_25 : f32 to vector<512x2048xf32>
    %select_n3A_27 = arith.select %le3A, %exp3A_24, %broadcast_in_dim3A_26 : vector<512x2048xi1>, vector<512x2048xf32>
    %convert_element_type3A_28 = arith.truncf %select_n3A_27 : vector<512x2048xf32> to vector<512x2048xbf16>
    %get3A_29 = arith.constant 0 : index
    %get3A_30 = arith.constant 0 : index
    %get3A_31 = vector.load %arg5[%get3A_29, %get3A_30] : memref<2048x128xbf16, #tpu.memory_space<vmem>>, vector<2048x128xbf16>
    %dot_general3A_32 = arith.constant dense<0.000000e+00> : vector<512x128xf32>
    %dot_general3A_33 = tpu.matmul %convert_element_type3A_28, %get3A_31, %dot_general3A_32 {dimension_numbers = #tpu.dot_dimension_numbers<[1], [0], [0], [1], [0, 0, 1, 1], [], []>, transpose_lhs_hint = false} : vector<512x2048xbf16>, vector<2048x128xbf16>, vector<512x128xf32> -> vector<512x128xf32>
    %slice3A_34 = vector.extract_strided_slice %dot_general3A_33 {offsets = [0, 127], sizes = [512, 1], strides = [1, 1]} : vector<512x128xf32> to vector<512x1xf32>
    %get3A_35 = arith.constant 0 : index
    %get3A_36 = arith.constant 0 : index
    %get3A_37 = vector.load %arg8[%get3A_35, %get3A_36] : memref<512x128xf32, #tpu.memory_space<vmem>>, vector<512x1xf32>
    %iota3A_38 = tpu.iota {dimensions = array<i32: 1>} : vector<512x512xi32>
    %convert_element_type3A_39 = arith.sitofp %iota3A_38 : vector<512x512xi32> to vector<512x512xf32>
    %get3A_40 = arith.constant 0 : index
    %get3A_41 = arith.constant 0 : index
    %get3A_42 = vector.load %arg6[%get3A_40, %get3A_41] : memref<512x128xbf16, #tpu.memory_space<vmem>>, vector<512x128xbf16>
    %dot_general3A_43 = arith.constant dense<0.000000e+00> : vector<512x512xf32>
    %dot_general3A_44 = tpu.matmul %get3A_1, %get3A_42, %dot_general3A_43 {dimension_numbers = #tpu.dot_dimension_numbers<[1], [1], [0], [0], [0, 0, 1, 0], [], []>, transpose_lhs_hint = false} : vector<512x128xbf16>, vector<512x128xbf16>, vector<512x512xf32> -> vector<512x512xf32>
    %mul3A_45 = arith.constant 0.102062076 : f32
    %mul3A_46 = vector.broadcast %mul3A_45 : f32 to vector<512x512xf32>
    %mul3A_47 = arith.mulf %dot_general3A_44, %mul3A_46 : vector<512x512xf32>
    %lt3A = vector.broadcast %get3A_37 : vector<512x1xf32> to vector<512x512xf32>
    %lt3A_48 = arith.cmpf olt, %convert_element_type3A_39, %lt3A : vector<512x512xf32>
    %jit3A_49 = arith.constant -1.000000e+09 : f32
    %broadcast_in_dim3A_50 = vector.broadcast %jit3A_49 : f32 to vector<512x512xf32>
    %select_n3A_51 = arith.select %lt3A_48, %mul3A_47, %broadcast_in_dim3A_50 : vector<512x512xi1>, vector<512x512xf32>
    %reduce_max3A = arith.constant dense<0xFF800000> : vector<512xf32>
    %reduce_max3A_52 = vector.multi_reduction <maximumf>, %select_n3A_51, %reduce_max3A [1] : vector<512x512xf32> to vector<512xf32>
    %broadcast_in_dim3A_53 = vector.shape_cast %reduce_max3A_52 : vector<512xf32> to vector<512x1xf32>
    %sub3A = vector.broadcast %broadcast_in_dim3A_53 : vector<512x1xf32> to vector<512x512xf32>
    %sub3A_54 = arith.subf %select_n3A_51, %sub3A : vector<512x512xf32>
    %exp3A_55 = math.exp %sub3A_54 : vector<512x512xf32>
    %convert_element_type3A_56 = arith.truncf %exp3A_55 : vector<512x512xf32> to vector<512x512xbf16>
    %get3A_57 = arith.constant 0 : index
    %get3A_58 = arith.constant 0 : index
    %get3A_59 = vector.load %arg7[%get3A_57, %get3A_58] : memref<512x128xbf16, #tpu.memory_space<vmem>>, vector<512x128xbf16>
    %dot_general3A_60 = arith.constant dense<0.000000e+00> : vector<512x128xf32>
    %dot_general3A_61 = tpu.matmul %convert_element_type3A_56, %get3A_59, %dot_general3A_60 {dimension_numbers = #tpu.dot_dimension_numbers<[1], [0], [0], [1], [0, 0, 1, 1], [], []>, transpose_lhs_hint = false} : vector<512x512xbf16>, vector<512x128xbf16>, vector<512x128xf32> -> vector<512x128xf32>
    %slice3A_62 = vector.extract_strided_slice %dot_general3A_61 {offsets = [0, 127], sizes = [512, 1], strides = [1, 1]} : vector<512x128xf32> to vector<512x1xf32>
    %get3A_63 = arith.constant 0 : index
    %get3A_64 = arith.constant 0 : index
    %get3A_65 = vector.load %arg9[%get3A_63, %get3A_64] : memref<8x384xf32, #tpu.memory_space<vmem>>, vector<1x128xf32>
    %get3A_66 = arith.constant 0 : index
    %get3A_67 = arith.constant 128 : index
    %get3A_68 = vector.load %arg9[%get3A_66, %get3A_67] : memref<8x384xf32, #tpu.memory_space<vmem>>, vector<1x128xf32>
    %get3A_69 = arith.constant 0 : index
    %get3A_70 = arith.constant 256 : index
    %get3A_71 = vector.load %arg9[%get3A_69, %get3A_70] : memref<8x384xf32, #tpu.memory_space<vmem>>, vector<1x128xf32>
    %div3A = vector.broadcast %get3A_65 : vector<1x128xf32> to vector<512x128xf32>
    %div3A_72 = vector.broadcast %slice3A : vector<512x1xf32> to vector<512x128xf32>
    %div3A_73 = arith.divf %div3A, %div3A_72 : vector<512x128xf32>
    %mul3A_74 = arith.mulf %dot_general3A_15, %div3A_73 : vector<512x128xf32>
    %div3A_75 = vector.broadcast %get3A_68 : vector<1x128xf32> to vector<512x128xf32>
    %div3A_76 = vector.broadcast %slice3A_62 : vector<512x1xf32> to vector<512x128xf32>
    %div3A_77 = arith.divf %div3A_75, %div3A_76 : vector<512x128xf32>
    %mul3A_78 = arith.mulf %dot_general3A_61, %div3A_77 : vector<512x128xf32>
    %add3A_79 = arith.addf %mul3A_74, %mul3A_78 : vector<512x128xf32>
    %div3A_80 = vector.broadcast %get3A_71 : vector<1x128xf32> to vector<512x128xf32>
    %div3A_81 = vector.broadcast %slice3A_34 : vector<512x1xf32> to vector<512x128xf32>
    %div3A_82 = arith.divf %div3A_80, %div3A_81 : vector<512x128xf32>
    %mul3A_83 = arith.mulf %dot_general3A_33, %div3A_82 : vector<512x128xf32>
    %add3A_84 = arith.addf %add3A_79, %mul3A_83 : vector<512x128xf32>
    %convert_element_type3A_85 = arith.truncf %add3A_84 : vector<512x128xf32> to vector<512x128xbf16>
    %get3A_86 = arith.constant 0 : index
    %get3A_87 = arith.constant 0 : index
    %get3A_88 = vector.load %arg10[%get3A_86, %get3A_87] : memref<128x1024xbf16, #tpu.memory_space<vmem>>, vector<128x1024xbf16>
    %dot_general3A_89 = arith.constant dense<0.000000e+00> : vector<512x1024xf32>
    %dot_general3A_90 = tpu.matmul %convert_element_type3A_85, %get3A_88, %dot_general3A_89 {dimension_numbers = #tpu.dot_dimension_numbers<[1], [0], [0], [1], [0, 0, 1, 1], [], []>, transpose_lhs_hint = false} : vector<512x128xbf16>, vector<128x1024xbf16>, vector<512x1024xf32> -> vector<512x1024xf32>
    %eq3A = arith.constant 0 : i32
    %eq3A_91 = arith.cmpi eq, %arg0, %eq3A : i32
    %convert_element_type3A_92 = arith.extui %eq3A_91 : i1 to i32
    %cond3A = arith.constant 0 : i32
    %cond3A_93 = arith.cmpi ne, %convert_element_type3A_92, %cond3A : i32
    scf.if %cond3A_93 {
      %swap3A = arith.constant 0 : index
      %swap3A_98 = arith.constant 0 : index
      %swap3A_99 = vector.load %arg11[%swap3A, %swap3A_98] : memref<512x1024xf32, #tpu.memory_space<vmem>>, vector<512x1024xf32>
      tpu.vector_store %arg11[%swap3A, %swap3A_98], %dot_general3A_90 {strides = array<i32>} : memref<512x1024xf32, #tpu.memory_space<vmem>>, vector<512x1024xf32>,
    } else {
    }
    %ne3A = arith.constant 0 : i32
    %ne3A_94 = arith.cmpi ne, %arg0, %ne3A : i32
    %convert_element_type3A_95 = arith.extui %ne3A_94 : i1 to i32
    %cond3A_96 = arith.constant 0 : i32
    %cond3A_97 = arith.cmpi ne, %convert_element_type3A_95, %cond3A_96 : i32
    scf.if %cond3A_97 {
      %get3A_98 = arith.constant 0 : index
      %get3A_99 = arith.constant 0 : index
      %get3A_100 = vector.load %arg11[%get3A_98, %get3A_99] : memref<512x1024xf32, #tpu.memory_space<vmem>>, vector<512x1024xf32>
      %add3A_101 = arith.addf %get3A_100, %dot_general3A_90 : vector<512x1024xf32>
      %swap3A = arith.constant 0 : index
      %swap3A_102 = arith.constant 0 : index
      %swap3A_103 = vector.load %arg11[%swap3A, %swap3A_102] : memref<512x1024xf32, #tpu.memory_space<vmem>>, vector<512x1024xf32>
      tpu.vector_store %arg11[%swap3A, %swap3A_102], %add3A_101 {strides = array<i32>} : memref<512x1024xf32, #tpu.memory_space<vmem>>, vector<512x1024xf32>,
    } else {
    }
    return
  }
  func.func @transform_0(%arg0: i32) -> (i32, i32) {
    %c3_i32 = arith.constant 3 : i32
    %c0_i32 = arith.constant 0 : i32
    return %c3_i32, %arg0 : i32, i32
  }
  func.func @transform_1(%arg0: i32) -> (i32, i32) {
    %c0_i32 = arith.constant 0 : i32
    %c0_i32_0 = arith.constant 0 : i32
    return %c0_i32, %arg0 : i32, i32
  }
  func.func @transform_2(%arg0: i32) -> (i32, i32) {
    %c0_i32 = arith.constant 0 : i32
    %c0_i32_0 = arith.constant 0 : i32
    return %c0_i32, %arg0 : i32, i32
  }
  func.func @transform_3(%arg0: i32) -> (i32, i32) {
    %c0_i32 = arith.constant 0 : i32
    %c0_i32_0 = arith.constant 0 : i32
    return %c0_i32, %arg0 : i32, i32
  }
  func.func @transform_4(%arg0: i32) -> (i32, i32) {
    %c0_i32 = arith.constant 0 : i32
    %c0_i32_0 = arith.constant 0 : i32
    return %c0_i32, %arg0 : i32, i32
  }
  func.func @transform_5(%arg0: i32) -> (i32, i32) {
    %c0_i32 = arith.constant 0 : i32
    %c0_i32_0 = arith.constant 0 : i32
    return %c0_i32, %arg0 : i32, i32
  }
  func.func @transform_6(%arg0: i32) -> (i32, i32) {
    %c0_i32 = arith.constant 0 : i32
    %c0_i32_0 = arith.constant 0 : i32
    return %c0_i32, %arg0 : i32, i32
  }
  func.func @transform_7(%arg0: i32) -> (i32, i32) {
    %c3_i32 = arith.constant 3 : i32
    %c0_i32 = arith.constant 0 : i32
    %c0_i32_0 = arith.constant 0 : i32
    return %c3_i32, %c0_i32 : i32, i32
  }
  func.func @transform_8(%arg0: i32) -> (i32, i32) {
    %c0_i32 = arith.constant 0 : i32
    %c0_i32_0 = arith.constant 0 : i32
    %c0_i32_1 = arith.constant 0 : i32
    return %c0_i32, %c0_i32_0 : i32, i32
  }
  func.func @transform_9(%arg0: i32) -> (i32, i32) {
    %c0_i32 = arith.constant 0 : i32
    %c0_i32_0 = arith.constant 0 : i32
    return %arg0, %c0_i32 : i32, i32
  }
  func.func @transform_10(%arg0: i32) -> (i32, i32) {
    %c0_i32 = arith.constant 0 : i32
    %c0_i32_0 = arith.constant 0 : i32
    %c0_i32_1 = arith.constant 0 : i32
    return %c0_i32, %c0_i32_0 : i32, i32
  }
}

</mosaic_0001>

<sc_bundles>
// kernel: kernel.9.cloned.1.call-start
scs
__scs_entry_jumppad:
0x0: {  	(pc) =	sbr.rel $0x88, $3  }
0x1: {  	(tag) =	ssettag $0x0;
	lr =	simm.s32 $0x1  }
0x2: {  	[smem:$0x3F8F] =	sst lr;
	_ =	strace $0xD0000000  }
0x3: {  	_ = 	snop  }
0x4: {  	_ = 	snop  }
0x5: {  	_ = 	snop  }
0x6: {  	_ = 	snop  }
0x7: {  	_ = 	snop  }
__scs_overlays_trampoline_lowered:
0x8: {  	[smem:$0x3F9E] =	sst s0  }
0x9: {  	[smem:$0x3F9F] =	sst s1  }
0xa: {  	[smem:$0x3FA0] =	sst s2  }
0xb: {  	[smem:$0x3FA1] =	sst s3  }
0xc: {  	[smem:$0x3FA2] =	sst s4  }
0xd: {  	[smem:$0x3FA3] =	sst s5  }
0xe: {  	[smem:$0x3FA4] =	sst s6  }
0xf: {  	[smem:$0x3FA5] =	sst s7  }
0x10: {  	[smem:$0x3FA6] =	sst s8  }
0x11: {  	[smem:$0x3FA7] =	sst s9;
	s0 =	simm.s32 @!p0 $0x0  }
0x12: {  	s1 =	sld [smem:$0x3F8D];
	s0 =	simm.s32 @p0 $0x1  }
0x13: {  	[smem:$0x3FA8] =	sst s0;
	s0 =	simm.s32 @!p1 $0x0  }
0x14: {  	s2 =	sld [smem:$0x3F8C];
	s0 =	simm.s32 @p1 $0x1  }
0x15: {  	[smem:$0x3FA9] =	sst s0;
	s0 =	simm.s32 @!p2 $0x0  }
0x16: {  	s3 =	sld [smem:$0x3FDB];
	s0 =	simm.s32 @p2 $0x1  }
0x17: {  	s4 =	simm.s32 $0x1BF5;
	[smem:$0x3FAB] =	sst s0  }
0x18: {  	s0 =	sld [smem:$0x3F8E];
	_ =	swait.ge [sflag:s4], $0x0  }
0x19: {  	s7 =	sld [smem:$0x3F8F]  }
0x1a: {  	s8 =	sadd.s32 $0xFFFFE003, lr  }
0x1b: {  	s9 =	sadd.s32 $0xFFFFFEF7, lr;
	s5 =	simm.s32 $0xFFFFFFFF;
	p2 =	slt.u32 s8, $0xFFFFF086  }
0x1c: {  	p1 =	slt.u32 s9, $0xF7A;
	s5 =	simm.s32 @!p2 $0x0  }
0x1d: {  	s5 =	simm.s32 @p1 $0x1;
	p0 =	seq.s32 s7, s2  }
0x1e: {  	s7 =	smul.u32 @!p0 $0xF7A, s2;
	p2 =	seq.s32 @!p0 s5, $0x0  }
0x1f: {  	s9 =	smul.u32 $0xF7A, s1;
	s8 =	simm.s32 @!p0 $0x1BF5;
	p2 =	por !p2, p0  }
0x20: {  	[sflag:s8] =	ssyncset.s32 @!p0 $0xFFFFF086;
	s6 =	sadd.s32 @!p0 s3, s7;
	s7 =	simm.s32 @!p0 $0x108  }
0x21: {  	s3 =	sadd.s32 s3, s9;
	s6 =	sadd.s32 @!p0 $0x88, s6;
	s7 =	simm.s32 @p2 $0x1082  }
0x22: {  	[simem:s7], [sflag:s8] =	dma.local @!p0 [hbm:s6], $0xF7A  }
0x23: {  	s9 =	sor.u32 $0xD0000000, s2;
	s6 =	simm.s32 $0x108;
	_ =	swait.ge @!p0 [sflag:s8], $0x0  }
0x24: {  	s3 =	sadd.s32 $0x88, s3;
	s6 =	simm.s32 @!p1 $0x1082;
	[sflag:s4] =	ssyncset.s32 $0xFFFFF086  }
0x25: {  	[simem:s6], [sflag:s4] =	dma.local [hbm:s3], $0xF7A  }
0x26: {  	[smem:$0x3F8F] =	sst s1;
	(tag) =	ssettag s2;
	_ =	strace s9  }
0x27: {  	s1 =	sld [smem:$0x3F9F]  }
0x28: {  	s2 =	sld [smem:$0x3FA0]  }
0x29: {  	s4 =	sld [smem:$0x3FA2]  }
0x2a: {  	p0 =	seq.s32 s5, $0x0;
	s5 =	sld [smem:$0x3FA3]  }
0x2b: {  	s6 =	sld [smem:$0x3FA4]  }
0x2c: {  	s7 =	sld [smem:$0x3FA5]  }
0x2d: {  	s3 =	simm.s32 $0x108;
	s8 =	sld [smem:$0x3FA6]  }
0x2e: {  	s3 =	simm.s32 @!p0 $0x1082;
	s9 =	sld [smem:$0x3FA7]  }
0x2f: {  	lr =	sadd.s32 s0, s3;
	s0 =	sld [smem:$0x3F9E]  }
0x30: {  	s3 =	sld [smem:$0x3FA1]  }
0x31: {  	[smem:$0x3FAA] =	sst s10  }
0x32: {  	s10 =	sld [smem:$0x3FA8];
	_ =	sdelay $0x3  }
0x33: {  	p0 =	seq.s32 s10, $0x1;
	s10 =	sld [smem:$0x3FAA];
	_ =	sdelay $0x3  }
0x34: {  	[smem:$0x3FAA] =	sst s10  }
0x35: {  	s10 =	sld [smem:$0x3FA9];
	_ =	sdelay $0x3  }
0x36: {  	p1 =	seq.s32 s10, $0x1;
	s10 =	sld [smem:$0x3FAA];
	_ =	sdelay $0x3  }
0x37: {  	[smem:$0x3FAA] =	sst s10  }
0x38: {  	s10 =	sld [smem:$0x3FAB]  }
0x39: {  	_ = 	snop;
	(pc) =	sbr.ind lr, $3  }
0x3a: {  	_ = 	snop  }
0x3b: {  	_ = 	snop  }
0x3c: {  	p2 =	seq.s32 s10, $0x1;
	s10 =	sld [smem:$0x3FAA]  }
0x3d: {  	_ =	shalt  }
0x3e: {  	_ =	shalt  }
0x3f: {  	_ =	shalt  }
0x40: {  	_ =	shalt  }
0x41: {  	_ =	shalt  }
0x42: {  	_ =	shalt  }
0x43: {  	_ =	shalt  }
0x44: {  	_ =	shalt  }
0x45: {  	_ =	shalt  }
0x46: {  	_ =	shalt  }
0x47: {  	_ =	shalt  }
0x48: {  	_ =	shalt  }
0x49: {  	_ =	shalt  }
0x4a: {  	_ =	shalt  }
0x4b: {  	_ =	shalt  }
0x4c: {  	_ =	shalt  }
0x4d: {  	_ =	shalt  }
0x4e: {  	_ =	shalt  }
0x4f: {  	_ =	shalt  }
0x50: {  	_ =	shalt  }
0x51: {  	_ =	shalt  }
0x52: {  	_ =	shalt  }
0x53: {  	_ =	shalt  }
0x54: {  	_ =	shalt  }
0x55: {  	_ =	shalt  }
0x56: {  	_ =	shalt  }
0x57: {  	_ =	shalt  }
0x58: {  	_ =	shalt  }
0x59: {  	_ =	shalt  }
0x5a: {  	_ =	shalt  }
0x5b: {  	_ =	shalt  }
0x5c: {  	_ =	shalt  }
0x5d: {  	_ =	shalt  }
0x5e: {  	_ =	shalt  }
0x5f: {  	_ =	shalt  }
0x60: {  	_ =	shalt  }
0x61: {  	_ =	shalt  }
0x62: {  	_ =	shalt  }
0x63: {  	_ =	shalt  }
0x64: {  	_ =	shalt  }
0x65: {  	_ =	shalt  }
0x66: {  	_ =	shalt  }
0x67: {  	_ =	shalt  }
0x68: {  	_ =	shalt  }
0x69: {  	_ =	shalt  }
0x6a: {  	_ =	shalt  }
0x6b: {  	_ =	shalt  }
0x6c: {  	_ =	shalt  }
0x6d: {  	_ =	shalt  }
0x6e: {  	_ =	shalt  }
0x6f: {  	_ =	shalt  }
0x70: {  	_ =	shalt  }
0x71: {  	_ =	shalt  }
0x72: {  	_ =	shalt  }
0x73: {  	_ =	shalt  }
0x74: {  	_ =	shalt  }
0x75: {  	_ =	shalt  }
0x76: {  	_ =	shalt  }
0x77: {  	_ =	shalt  }
0x78: {  	_ =	shalt  }
0x79: {  	_ =	shalt  }
0x7a: {  	_ =	shalt  }
0x7b: {  	_ =	shalt  }
0x7c: {  	_ =	shalt  }
0x7d: {  	_ =	shalt  }
0x7e: {  	_ =	shalt  }
0x7f: {  	_ =	shalt  }
0x80: {  	_ =	shalt  }
0x81: {  	_ =	shalt  }
0x82: {  	_ =	shalt  }
0x83: {  	_ =	shalt  }
0x84: {  	_ =	shalt  }
0x85: {  	_ =	shalt  }
0x86: {  	_ =	shalt  }
0x87: {  	_ =	shalt  }
.Lfunc_end0:
.L_simem_size_0:
called_computation_lowered:
.L_overlay_start_0:
0x88: {  	s2 =	sld [smem:$0x3FD9]  }
0x89: {  	s3 =	sld [smem:$0x3FFE];
	_ =	sdelay $0x1  }
0x8a: {  	s1 =	srdreg.scid  }
0x8b: {  	s0 =	sand.u32 $0x1, s1  }
0x8c: {  	s17 =	sshll.u32 s0, $0xA;
	s2 =	sadd.s32 s3, s2  }
0x8d: {  	s2 =	sadd.s32 s2, s17  }
0x8e: {  	[smem:$0x3FB6] =	sst s2  }
0x8f: {  	_ = 	snop  }
0x90: {  	s2 =	sld [smem:$0x3FC9];
	(tm) =	ssettm $0x1  }
0x91: {  	s18 =	sld [smem:$0x3FFB];
	_ =	sdelay $0x3  }
0x92: {  	_ =	strace s18  }
0x93: {  	s3 =	sld [smem:$0x3FFC];
	_ =	sdelay $0x3  }
0x94: {  	_ =	strace s3  }
0x95: {  	s3 =	sld [smem:$0x3FFD];
	_ =	sdelay $0x3  }
0x96: {  	_ =	strace s3  }
0x97: {  	_ =	strace $0x8FFFFFFF  }
0x98: {  	s19 =	sld [smem:$0x3FDB];
	_ =	sdelay $0x1  }
0x99: {  	s4 =	simm.s32 $_scs_section_size  }
0x9a: {  	s5 =	simm.s32 $_size__tile_overlayer_lowered;
	s6 =	simm.s32 $_tile_overlayer_lowered  }
0x9b: {  	s22 =	simm.s32 $0x1BFF;
	s21 =	sshll.u32 s6, $0x1;
	s3 =	sadd.s32 s4, s19  }
0x9c: {  	s7 =	simm.s32 $0x0;
	s20 =	sshll.u32 s5, $0x1;
	s5 =	sadd.s32 s21, s3  }
0x9d: {  	[timem:s7], [sflag:s22] =	dma.local [hbm:s5], s20  }
0x9e: {  	_ =	swait.ge [sflag:s22], s20  }
0x9f: {  	s4 =	ssub.s32 $0x0, s20;
	[sflag:s22] =	ssyncset.done $0x0  }
0xa0: {  	[sflag:s22] =	ssyncadd.s32 s4;
	_ =	sdelay $0x1  }
0xa1: {  	s23 =	simm.s32 $0x1B8B  }
0xa2: {  	_ =	swait.ge [sflag:s23], $0x1  }
0xa3: {  	[sflag:s23] =	ssyncset.done $0x0  }
0xa4: {  	s25 =	simm.s32 $0x1B8E;
	s24 =	sld [smem:$0x3FFE];
	[sflag:s23] =	ssyncadd.s32 $0xFFFFFFFF  }
0xa5: {  	s26 =	simm.s32 $execute0_lowered;
	[smem:$0x3FD2] =	sst s25  }
0xa6: {  	s5 =	sshll.u32 s26, $0x1;
	_ =	strace $0x80000046;
	[dreg:$0x1] =	wrdreg $0xFFFFFFFF  }
0xa7: {  	s28 =	simm.s32 $_size_execute0_lowered;
	s3 =	sadd.s32 s3, s5;
	[dreg:$0x0] =	wrdreg $0x0  }
0xa8: {  	s5 =	sshll.u32 s28, $0x1;
	[dreg:$0x2] =	wrdreg s3  }
0xa9: {  	[dreg:$0x3] =	wrdreg s5  }
0xaa: {  	[dreg:$0x4] =	wrdreg $0xC0  }
0xab: {  	_ =	task [dreg:s7], $0x5FFFF  }
0xac: {  	[dreg:$0x1] =	wrdreg $0xFFFFFFFF  }
0xad: {  	[dreg:$0x0] =	wrdreg $0x60  }
0xae: {  	[dreg:$0x2] =	wrdreg s24  }
0xaf: {  	[dreg:$0x3] =	wrdreg s2  }
0xb0: {  	[dreg:$0x4] =	wrdreg $0x9  }
0xb1: {  	_ =	task.clear_ibuf [dreg:s7], $0x5FFFF;
	_ =	strace $0x90000046  }
0xb2: {  	s29 =	simm.s32 $0x9;
	_ =	strace $0x80000048  }
0xb3: {  	_ =	swait.ge [sflag:s29], $0x1  }
0xb4: {  	[sflag:s29] =	ssyncadd.s32 $0xFFFFFFFF  }
0xb5: {  	_ =	strace $0x90000048  }
0xb6: {  	_ =	sfence  }
0xb7: {  	s30 =	sld [smem:$0x0];
	_ =	sdelay $0x2  }
0xb8: {  	s31 =	sshll.u32 s1, $0xD;
	s1 =	sshrl.u32 s1, $0x2  }
0xb9: {  	s3 =	sand.u32 $0x4000, s31;
	s1 =	sadd.s32 s1, s30  }
0xba: {  	s0 =	sor.u32 s3, s0;
	s1 =	sshll.u32 s1, $0x11  }
0xbb: {  	s0 =	sor.u32 s1, s0  }
0xbc: {  	s0 =	sadd.s32 $0x8F2B, s0  }
0xbd: {  	[sflag:s0] =	ssyncadd.remote.s32 $0x1  }
0xbe: {  	_ =	sfence.sel $0xFFFF  }
0xbf: {  	[dreg:$0x0] =	wrdreg $0xFFFFFFFF;
	(pc) =	sbr.abs _section_cstart, $3  }
0xc0: {  	[dreg:$0x1] =	wrdreg $0xFFFFFFFF  }
0xc1: {  	_ =	task.clear_ibuf [dreg:s7], $0x2FFFF;
	_ =	strace $0x9FFFFFFF  }
0xc2: {  	(tm) =	ssettm $0x7FFFFFFF  }
0xc3: {  	_ =	shalt  }
tec
execute0_lowered:
.L_overlay_start_1:
0x0: {  	(tag) =	ssettag $0x1  }
0x1: {  	s0 =	rddreg [dreg:$0x0]  }
0x2: {  	s1 =	rddreg [dreg:$0x1];
	s2 =	simm.s32 $0x0;
	s4 =	srdreg.scid  }
0x3: {  	s6 =	stileid.u32;
	s13 =	simm.s32 $0x2080;
	s14 =	simm.s32 $0x3  }
0x4: {  	s15 =	simm.s32 $0x40000000;
	s16 =	simm.s32 $0x2;
	s29 =	simm.s32 $0x10080  }
0x5: {  	s30 =	simm.s32 $0x10880;
	s31 =	simm.s32 $0x11080;
	s17 =	simm.s32 $0x0  }
0x6: {  	[smem:$0x7FF] =	sst s2;
	s3 =	sadd.s32 $0x3D600, s0;
	s5 =	sand.u32 $0x1, s4  }
0x7: {  	s6 =	sshll.u32 s6, $0x1;
	s4 =	sadd.s32 $0x3D800, s0;
	s10 =	sadd.s32 $0x3DA00, s0  }
0x8: {  	s11 =	sadd.s32 $0x3DB00, s0;
	s6 =	sor.u32 s5, s6;
	s5 =	ssub.s32 $0x2, s5  }
0x9: {  	_ =	strace $0x80000047;
	s7 =	sshll.u32 s6, $0x3;
	s8 =	sshrl.u32 s5, $0x1  }
0xa: {  	s9 =	sshll.u32 s6, $0xD;
	s28 =	sor.u32 $0x200, s6;
	s6 =	sshll.u32 s6, $0x6  }
0xb: {  	v4 =	vlaneseq.u32;
	v1 =	vimm.s32 $0x0;
	s7 =	sadd.s32 s7, s0;
	s12 =	ssub.s32 s5, s8;
	s5 =	sadd.s32 s1, s9  }
0xc: {  	vm0 =	vmmov $0xffff;
	v2 =	vand.u32 $0x7, v4;
	v3 =	vshrl.u32 v4, $0x3;
	s8 =	sor.u32 $0x1000, s6;
	s9 =	sadd.s32 $0x3D900, s0;
	s0 =	simm.s32 $0x11880  }
0xd: {  	v4 =	vor.u32 $0x8, v4;
	v3 =	vmul.u32 $0x8, v3;
	v0 =	vmov s28;
	s1 =	simm.s32 $0x1;
	s7 =	sadd.s32 $0x60E00, s7;
	s12 =	smax.u32 s12, $0x1  }
.LBB2_1:
0xe: {  	[tilespmem:s13], [sflag:$0x2] =	stream.linear.gather [hbm4b:s5+s2], $0x10000, $0x38;
	[tilespmem:$0x12080] =	vst v63  }
0xf: {  	_ = 	snop  }
0x10: {  	[tilespmem:s2], [sflag:$0x3] =	stream.linear.gather [hbm4b:s3+s2], $0x800, $0x38;
	[tilespmem:$0x12080] =	vst v63  }
0x11: {  	_ =	swait.ge [sflag:s14], $0x800  }
0x12: {  	[sflag:s14] =	ssyncset.done $0x0  }
0x13: {  	s19 =	simm.s32 $0x0;
	[sflag:s14] =	ssyncadd.s32 $0xFFFFF800  }
0x14: {  	v5 =	vld [tilespmem:s19+$0x30]  }
0x15: {  	v8 =	vld [tilespmem:s19+$0x0]  }
0x16: {  	v9 =	vld [tilespmem:s19+$0x10]  }
0x17: {  	v10 =	vld [tilespmem:s19+$0x20];
	_ =	sdelay $0x1  }
0x18: {  	s18 =	simm.s32 $0x40;
	v7 =	vshra.s32 v5, $0x1F  }
0x19: {  	v6 =	vld [tilespmem:s18+$0x30];
	v12 =	vshra.s32 v8, $0x1F;
	v11 =	vand.u32 $0x7FFFFFFF, v7  }
0x1a: {  	v13 =	vshra.s32 v9, $0x1F;
	v7 =	vld [tilespmem:s18+$0x0];
	v12 =	vand.u32 $0x7FFFFFFF, v12;
	v11 =	vxor.u32 v5, v11  }
0x1b: {  	v63 =	vshra.s32 v10, $0x1F;
	v62 =	vand.u32 $0x7FFFFFFF, v13;
	v5 =	vld [tilespmem:s18+$0x10];
	[tilespmem:s19+$0x830] =	vst v11;
	v11 =	vxor.u32 v8, v12  }
0x1c: {  	v9 =	vxor.u32 v9, v62;
	v8 =	vld [tilespmem:s18+$0x20];
	[tilespmem:s19+$0x800] =	vst v11;
	v11 =	vand.u32 $0x7FFFFFFF, v63  }
0x1d: {  	s20 =	simm.s32 $0x200;
	[tilespmem:s19+$0x810] =	vst v9;
	v9 =	vxor.u32 v10, v11  }
.LBB2_2:
0x1e: {  	s21 =	sshra.s32 s20, $0x2;
	p0 =	sne.s32 s20, $0x1F00;
	s20 =	sadd.s32 $0x100, s20;
	v15 =	vshra.s32 v6, $0x1F;
	[tilespmem:s19+$0x820] =	vst v9;
	v9 =	vmov v6  }
.Ltmp0:
0x1f: {  	s19 =	smov.u32 s18;
	v6 =	vld [tilespmem:s21+$0x30];
	v11 =	vshra.s32 v7, $0x1F;
	v14 =	vand.u32 $0x7FFFFFFF, v15;
	v12 =	vmov v7;
	s18 =	smov.u32 s21;
	(pc) =	sbr.rel @p0 .LBB2_2-.Ltmp0, $4  }
0x20: {  	v7 =	vld [tilespmem:s18+$0x0];
	v11 =	vand.u32 $0x7FFFFFFF, v11;
	v13 =	vshra.s32 v5, $0x1F;
	v14 =	vxor.u32 v9, v14;
	v10 =	vmovc v5  }
0x21: {  	v5 =	vld [tilespmem:s18+$0x10];
	v11 =	vxor.u32 v12, v11;
	v12 =	vand.u32 $0x7FFFFFFF, v13;
	v13 =	vshra.s32 v8, $0x1F;
	[tilespmem:s19+$0x830] =	vst v14;
	v9 =	vmovc v8  }
0x22: {  	v8 =	vld [tilespmem:s18+$0x20];
	[tilespmem:s19+$0x800] =	vst v11;
	v10 =	vxor.u32 v10, v12;
	v11 =	vand.u32 $0x7FFFFFFF, v13  }
0x23: {  	[tilespmem:s19+$0x810] =	vst v10;
	v9 =	vxor.u32 v9, v11  }
0x24: {  	v10 =	vshra.s32 v6, $0x1F  }
0x25: {  	v11 =	vshra.s32 v7, $0x1F;
	v10 =	vand.u32 $0x7FFFFFFF, v10  }
0x26: {  	[tilespmem:s19+$0x820] =	vst v9;
	v9 =	vand.u32 $0x7FFFFFFF, v11;
	v11 =	vshra.s32 v5, $0x1F;
	v6 =	vxor.u32 v6, v10  }
0x27: {  	v7 =	vxor.u32 v7, v9;
	v9 =	vand.u32 $0x7FFFFFFF, v11;
	v10 =	vshra.s32 v8, $0x1F;
	[tilespmem:s18+$0x830] =	vst v6  }
0x28: {  	[tilespmem:s18+$0x800] =	vst v7;
	v5 =	vxor.u32 v5, v9;
	v6 =	vand.u32 $0x7FFFFFFF, v10  }
0x29: {  	[tilespmem:s18+$0x810] =	vst v5;
	v5 =	vxor.u32 v8, v6  }
0x2a: {  	s28 =	simm.s32 $0x0;
	[tilespmem:s18+$0x820] =	vst v5  }
0x2b: {  	v8 =	vld [tilespmem:s28+$0x800]  }
0x2c: {  	v7 =	vld [tilespmem:s28+$0x810]  }
0x2d: {  	v5 =	vld [tilespmem:s28+$0x820]  }
0x2e: {  	v6 =	vld [tilespmem:s28+$0x830]  }
0x2f: {  	v9 =	vimm.s32 $0x0;
	s18 =	simm.s32 $0x100  }
.LBB2_4:
0x30: {  	s19 =	sshra.s32 s18, $0x2;
	p0 =	sne.s32 s18, $0x1F00;
	s18 =	sadd.s32 $0x100, s18;
	vm1 =	vgt.s32 v8, $0xFFFFFFFF  }
.Ltmp1:
0x31: {  	v8 =	vld [tilespmem:s19+$0x800];
	v10 =	vsel vm1, $0x1, v1;
	vm1 =	vgt.s32 v7, $0xFFFFFFFF;
	(pc) =	sbr.rel @p0 .LBB2_4-.Ltmp1, $4  }
0x32: {  	v7 =	vld [tilespmem:s19+$0x810];
	v9 =	vadd.s32 v10, v9;
	v10 =	vsel vm1, $0x1, v1;
	vm1 =	vgt.s32 v5, $0xFFFFFFFF  }
0x33: {  	v5 =	vld [tilespmem:s19+$0x820];
	v9 =	vadd.s32 v10, v9;
	v10 =	vsel vm1, $0x1, v1;
	vm1 =	vgt.s32 v6, $0xFFFFFFFF  }
0x34: {  	v6 =	vld [tilespmem:s19+$0x830];
	v9 =	vadd.s32 v10, v9;
	v10 =	vsel vm1, $0x1, v1  }
0x35: {  	v9 =	vadd.s32 v10, v9  }
0x36: {  	vm1 =	vgt.s32 v8, $0xFFFFFFFF  }
0x37: {  	v8 =	vsel vm1, $0x1, v1;
	vm1 =	vgt.s32 v7, $0xFFFFFFFF  }
0x38: {  	v7 =	vadd.s32 v8, v9;
	v63 =	vsel vm1, $0x1, v1;
	vm1 =	vgt.s32 v5, $0xFFFFFFFF  }
0x39: {  	v5 =	vadd.s32 v63, v7;
	v7 =	vsel vm1, $0x1, v1;
	vm1 =	vgt.s32 v6, $0xFFFFFFFF  }
0x3a: {  	v5 =	vadd.s32 v7, v5;
	v6 =	vsel vm1, $0x1, v1  }
0x3b: {  	v5 =	vadd.s32 v6, v5  }
0x3c: {  	(xrf0) =	vadd.scan.msk.s32 $0xffff, v5;
	_ =	sdelay $0x5  }
0x3d: {  	v5, _, _ =	vpop (xrf0)  }
0x3e: {  	(v2sf) =	vpush v5, $0xF;
	_ =	sdelay $0xe  }
0x3f: {  	s18 =	spop (v2sf)  }
0x40: {  	p0 =	sgt.s32 s18, $0x1FF;
	s18 =	simm.s32 $0x0  }
0x41: {  	s19 =	simm.s32 $0x0;
	s18 =	simm.s32 @!p0 $0x80000000  }
.LBB2_6:
0x42: {  	s22 =	simm.s32 $0x0  }
0x43: {  	v7 =	vld [tilespmem:s22+$0x800]  }
0x44: {  	v8 =	vld [tilespmem:s22+$0x810]  }
0x45: {  	s20 =	sshrl.u32 s15, s19;
	v6 =	vld [tilespmem:s22+$0x820]  }
0x46: {  	s20 =	sor.u32 s20, s18;
	v9 =	vld [tilespmem:s22+$0x830]  }
0x47: {  	v10 =	vimm.s32 $0x0;
	s21 =	simm.s32 $0x100;
	v5 =	vmov s20  }
.LBB2_7:
0x48: {  	s22 =	sshra.s32 s21, $0x2;
	p0 =	sne.s32 s21, $0x1F00;
	s21 =	sadd.s32 $0x100, s21;
	vm1 =	vge.s32 v7, v5  }
.Ltmp2:
0x49: {  	v7 =	vld [tilespmem:s22+$0x800];
	v11 =	vsel vm1, $0x1, v1;
	vm1 =	vge.s32 v8, v5;
	(pc) =	sbr.rel @p0 .LBB2_7-.Ltmp2, $4  }
0x4a: {  	v8 =	vld [tilespmem:s22+$0x810];
	v10 =	vadd.s32 v11, v10;
	v11 =	vsel vm1, $0x1, v1;
	vm1 =	vge.s32 v6, v5  }
0x4b: {  	v6 =	vld [tilespmem:s22+$0x820];
	v10 =	vadd.s32 v11, v10;
	v11 =	vsel vm1, $0x1, v1;
	vm1 =	vge.s32 v9, v5  }
0x4c: {  	v9 =	vld [tilespmem:s22+$0x830];
	v10 =	vadd.s32 v11, v10;
	v11 =	vsel vm1, $0x1, v1  }
0x4d: {  	v10 =	vadd.s32 v11, v10  }
0x4e: {  	vm1 =	vge.s32 v7, v5  }
0x4f: {  	v7 =	vsel vm1, $0x1, v1;
	vm1 =	vge.s32 v8, v5  }
0x50: {  	v7 =	vadd.s32 v7, v10;
	v8 =	vsel vm1, $0x1, v1;
	vm1 =	vge.s32 v6, v5  }
0x51: {  	v6 =	vadd.s32 v8, v7;
	v7 =	vsel vm1, $0x1, v1;
	vm1 =	vge.s32 v9, v5  }
0x52: {  	v5 =	vadd.s32 v7, v6;
	v6 =	vsel vm1, $0x1, v1  }
0x53: {  	v5 =	vadd.s32 v6, v5  }
0x54: {  	(xrf0) =	vadd.scan.msk.s32 $0xffff, v5;
	_ =	sdelay $0x5  }
0x55: {  	v5, _, _ =	vpop (xrf0)  }
0x56: {  	(v2sf) =	vpush v5, $0xF;
	_ =	sdelay $0xa  }
0x57: {  	s19 =	sadd.s32 $0x1, s19  }
0x58: {  	p1 =	seq.s32 s19, $0x1F  }
.Ltmp3:
0x59: {  	_ = 	snop;
	(pc) =	sbr.rel @!p1 .LBB2_6-.Ltmp3, $4  }
0x5a: {  	_ = 	snop  }
0x5b: {  	s21 =	spop (v2sf)  }
0x5c: {  	p0 =	sgt.s32 s21, $0x1FF  }
0x5d: {  	s18 =	smov.u32 @p0 s20  }
0x5e: {  	s19 =	simm.s32 $0x0  }
0x5f: {  	v9 =	vld [tilespmem:s19+$0x800]  }
0x60: {  	v8 =	vld [tilespmem:s19+$0x810]  }
0x61: {  	v7 =	vld [tilespmem:s19+$0x820]  }
0x62: {  	v6 =	vld [tilespmem:s19+$0x830]  }
0x63: {  	v5 =	vmov s18;
	v10 =	vimm.s32 $0x0;
	s18 =	simm.s32 $0x100  }
.LBB2_10:
0x64: {  	s19 =	sshra.s32 s18, $0x2;
	p0 =	sne.s32 s18, $0x1F00;
	s18 =	sadd.s32 $0x100, s18;
	vm1 =	vgt.s32 v9, v5  }
.Ltmp4:
0x65: {  	v9 =	vld [tilespmem:s19+$0x800];
	v11 =	vsel vm1, $0x1, v1;
	vm1 =	vgt.s32 v8, v5;
	(pc) =	sbr.rel @p0 .LBB2_10-.Ltmp4, $4  }
0x66: {  	v8 =	vld [tilespmem:s19+$0x810];
	v10 =	vadd.s32 v11, v10;
	v11 =	vsel vm1, $0x1, v1;
	vm1 =	vgt.s32 v7, v5  }
0x67: {  	v7 =	vld [tilespmem:s19+$0x820];
	v10 =	vadd.s32 v11, v10;
	v11 =	vsel vm1, $0x1, v1;
	vm1 =	vgt.s32 v6, v5  }
0x68: {  	v6 =	vld [tilespmem:s19+$0x830];
	v10 =	vadd.s32 v11, v10;
	v11 =	vsel vm1, $0x1, v1  }
0x69: {  	v10 =	vadd.s32 v11, v10  }
0x6a: {  	vm1 =	vgt.s32 v9, v5  }
0x6b: {  	v9 =	vsel vm1, $0x1, v1;
	vm1 =	vgt.s32 v8, v5  }
0x6c: {  	v8 =	vadd.s32 v9, v10;
	v9 =	vsel vm1, $0x1, v1;
	vm1 =	vgt.s32 v7, v5  }
0x6d: {  	v7 =	vadd.s32 v9, v8;
	v8 =	vsel vm1, $0x1, v1;
	vm1 =	vgt.s32 v6, v5  }
0x6e: {  	s20 =	simm.s32 $0x0;
	v6 =	vadd.s32 v8, v7;
	v7 =	vsel vm1, $0x1, v1  }
0x6f: {  	v6 =	vadd.s32 v7, v6;
	v7 =	vld [tilespmem:s20+$0x800];
	_ =	sdelay $0x1  }
0x70: {  	(xrf0) =	vadd.scan.msk.s32 $0xffff, v6;
	_ =	sdelay $0x2  }
0x71: {  	v9 =	vld [tilespmem:s20+$0x810];
	vm3 =	veq.s32 v7, v5  }
0x72: {  	v8 =	vsel vm3, $0x1, v1  }
0x73: {  	(xrf0) =	vadd.scan.msk.s32 $0xffff, v8  }
0x74: {  	v6, _, _ =	vpop (xrf0)  }
0x75: {  	(v2sf) =	vpush v6, $0xF  }
0x76: {  	s18 =	simm.s32 $0x20;
	vm4 =	veq.s32 v9, v5  }
0x77: {  	v10 =	vld [tilespmem:s18+$0x800];
	v6 =	vsel vm4, $0x1, v1  }
0x78: {  	(xrf0) =	vadd.scan.msk.s32 $0xffff, v6  }
0x79: {  	v11, _, _ =	vpop (xrf0)  }
0x7a: {  	(v2sf) =	vpush v11, $0xF;
	_ =	sdelay $0x1  }
0x7b: {  	v14 =	vld [tilespmem:s18+$0x810];
	vm1 =	veq.s32 v10, v5  }
0x7c: {  	v6 =	vsel vm1, $0x1, v1  }
0x7d: {  	s19 =	simm.s32 $0x40;
	(xrf0) =	vadd.scan.msk.s32 $0xffff, v6;
	v12, _, _ =	vpop (xrf0)  }
0x7e: {  	v16 =	vld [tilespmem:s19+$0x800];
	(v2sf) =	vpush v12, $0xF;
	_ =	sdelay $0x1  }
0x7f: {  	vm2 =	veq.s32 v14, v5  }
0x80: {  	v6 =	vsel vm2, $0x1, v1  }
0x81: {  	vm3 =	vmmov vm3;
	v8 =	vld [tilespmem:s19+$0x810];
	(xrf0) =	vadd.scan.msk.s32 $0xffff, v6  }
0x82: {  	s22 =	simm.s32 $0x0;
	vm7 =	veq.s32 v16, v5;
	v13 =	vsel vm3, $0xFFFFFFFF, v1;
	v15, _, _ =	vpop (xrf0);
	s21 =	spop (v2sf)  }
0x83: {  	vm5 =	vmmov vm4;
	v13 =	vadd.s32 s22, v13;
	(v2sf) =	vpush v15, $0xF;
	s21 =	ssub.s32 $0x200, s21  }
0x84: {  	vm6 =	vgt.s32 v7, v5;
	v11 =	vadd.s32 v11, v13;
	v6 =	vmov s21  }
0x85: {  	v7 =	vsel vm7, $0x1, v1;
	vm3 =	vmmov vm3;
	vm4 =	vlt.s32 v11, v6  }
0x86: {  	vm5 =	vmmov vm5;
	vm3 =	vmand vm3, vm4;
	vm4 =	veq.s32 v8, v5  }
0x87: {  	(xrf0) =	vadd.scan.msk.s32 $0xffff, v7;
	v7 =	vsel vm5, $0xFFFFFFFF, v1;
	v17, _, _ =	vpop (xrf0);
	v11 =	vsel vm4, $0x1, v1;
	s24 =	spop (v2sf)  }
0x88: {  	v7 =	vadd.s32 v7, v12;
	(v2sf) =	vpush v17, $0xF;
	(xrf0) =	vadd.scan.msk.s32 $0xffff, v11;
	s21 =	sadd.s32 $0x0, s24  }
0x89: {  	vm3 =	vmor vm6, vm3;
	v7 =	vadd.s32 s21, v7  }
0x8a: {  	vm6 =	vmmov vm2;
	v18 =	vsel vm3, $0x1, v1;
	vm2 =	vlt.s32 v7, v6  }
0x8b: {  	vm8 =	vgt.s32 v9, v5;
	vm1 =	vmmov vm1;
	(xrf0) =	vadd.scan.msk.s32 $0xffff, v18;
	vm5 =	vmand vm5, vm2  }
0x8c: {  	vm9 =	vmmov vm1;
	v11 =	vsel vm1, $0xFFFFFFFF, v1;
	s23 =	spop (v2sf);
	vm1 =	vmor vm8, vm5  }
0x8d: {  	v20, _, _ =	vpop (xrf0);
	s23 =	sadd.s32 s21, s23;
	s21 =	simm.s32 $0x60;
	v7 =	vsel vm1, $0x1, v1  }
0x8e: {  	v13 =	vld [tilespmem:s21+$0x800];
	v21, _, _ =	vpop (xrf0);
	(xrf0) =	vadd.scan.msk.s32 $0xffff, v7  }
0x8f: {  	vm10 =	vgt.s32 v14, v5;
	(v2sf) =	vpush v20, $0xF;
	vm4 =	vmmov vm4;
	v12 =	vld [tilespmem:s21+$0x810]  }
0x90: {  	v11 =	vadd.s32 s23, v11;
	vm2 =	vmmov vm7;
	vm7 =	vgt.s32 v10, v5  }
0x91: {  	vm5 =	vmmov vm6;
	v9 =	vadd.s32 v15, v11;
	(v2sf) =	vpush v21, $0xF;
	v19, _, _ =	vpop (xrf0)  }
0x92: {  	s24 =	spop (v2sf);
	vm6 =	vlt.s32 v9, v6;
	v9 =	vsel vm5, $0xFFFFFFFF, v1;
	(v2sf) =	vpush v19, $0xF  }
0x93: {  	s23 =	sadd.s32 s23, s24;
	vm8 =	vmand vm9, vm6;
	v9 =	vadd.s32 v9, v17;
	vm9 =	veq.s32 v13, v5  }
0x94: {  	v9 =	vadd.s32 s23, v9;
	vm6 =	veq.s32 v12, v5;
	v10 =	vsel vm9, $0x1, v1;
	v11, _, _ =	vpop (xrf0)  }
0x95: {  	vm7 =	vmor vm7, vm8;
	v15 =	vsel vm6, $0x1, v1;
	(xrf0) =	vadd.scan.msk.s32 $0xffff, v10;
	(v2sf) =	vpush v11, $0xF  }
0x96: {  	vm3 =	vmmov vm3;
	vm8 =	vlt.s32 v9, v6;
	v10 =	vsel vm7, $0x1, v1;
	(xrf0) =	vadd.scan.msk.s32 $0xffff, v15  }
0x97: {  	vm1 =	vmmov vm1;
	s25 =	spop (v2sf);
	v14 =	vadd.s32 s22, v19;
	vm5 =	vmand vm5, vm8;
	(xrf0) =	vadd.scan.msk.s32 $0xffff, v10  }
0x98: {  	s23 =	sadd.s32 s23, s25;
	v9 =	vsel vm2, $0xFFFFFFFF, v1;
	v19 =	vcvt.s32.f32 v14;
	vm8 =	vmor vm10, vm5  }
0x99: {  	v14 =	vsub.s32 v14, v18;
	v17 =	vadd.s32 s23, v9;
	v9 =	vsel vm8, $0x1, v1  }
0x9a: {  	v22 =	vsel vm3, v14, v0;
	vm3 =	vmmov vm1;
	vm10 =	vmmov vm2;
	(xrf0) =	vadd.scan.msk.s32 $0xffff, v9  }
0x9b: {  	s22 =	simm.s32 $0x80;
	vm2 =	vmmov vm7;
	v17 =	vadd.s32 v20, v17;
	vm1 =	vmmov vm8;
	v18, _, _ =	vpop (xrf0)  }
0x9c: {  	v15 =	vld [tilespmem:s22+$0x800];
	[tilespmem:s20+$0x1000] =	vst v19;
	vm8 =	vmmov vm4;
	vm4 =	vgt.s32 v16, v5;
	(v2sf) =	vpush v18, $0xF;
	v19, _, _ =	vpop (xrf0)  }
0x9d: {  	vm7 =	vlt.s32 v17, v6;
	v14 =	vld [tilespmem:s22+$0x810];
	v17 =	vsel vm8, $0xFFFFFFFF, v1;
	(v2sf) =	vpush v19, $0xF;
	v16, _, _ =	vpop (xrf0)  }
0x9e: {  	(v2sf) =	vpush v16, $0xF  }
0x9f: {  	s26 =	spop (v2sf);
	vm6 =	vmmov vm6;
	vm5 =	vmmov vm9;
	vm7 =	vmand vm10, vm7  }
0xa0: {  	s23 =	sadd.s32 s23, s26;
	v20 =	vsel vm5, $0xFFFFFFFF, v1;
	vm4 =	vmor vm4, vm7;
	v21 =	vadd.s32 v17, v21;
	v17, _, _ =	vpop (xrf0);
	s28 =	spop (v2sf)  }
0xa1: {  	v21 =	vadd.s32 s23, v21;
	vm10 =	veq.s32 v15, v5;
	(v2sf) =	vpush v17, $0xF;
	s23 =	sadd.s32 s23, s28;
	s25 =	spop (v2sf)  }
0xa2: {  	s24 =	simm.s32 $0x280;
	[tilespmem:s20+$0x1800] =	vst v22;
	v22 =	vsel vm10, $0x1, v1;
	vm7 =	veq.s32 v14, v5;
	v20 =	vadd.s32 s23, v20;
	s25 =	sadd.s32 $0x0, s25  }
.LBB2_12:
0xa3: {  	p0 =	sne.s32 s24, $0x1F80;
	v23 =	vsel vm7, $0x1, v1;
	(xrf0) =	vadd.scan.msk.s32 $0xffff, v22;
	v22 =	vsel vm4, $0x1, v1  }
0xa4: {  	vm11 =	vlt.s32 v21, v6;
	s26 =	spop (v2sf);
	vm9 =	vmmov vm5;
	vm5 =	vmmov vm10;
	s28 =	smov.u32 s24;
	s24 =	sadd.s32 $0x80, s24  }
0xa5: {  	vm10 =	vgt.s32 v8, v5;
	v25 =	vadd.s32 s25, v11;
	v8 =	vmovc v12;
	(xrf0) =	vadd.scan.msk.s32 $0xffff, v23;
	vm8 =	vmand vm8, vm11;
	s25 =	sadd.s32 s25, s26  }
0xa6: {  	v21 =	vcvt.s32.f32 v25;
	v24 =	vsub.s32 v25, v7;
	v7 =	vmovc v9;
	vm8 =	vmor vm10, vm8;
	(xrf0) =	vadd.scan.msk.s32 $0xffff, v22  }
0xa7: {  	v12 =	vmovc v14;
	v11 =	vmovc v17;
	v16 =	vadd.s32 s25, v16;
	v23 =	vsel vm3, v24, v0;
	v9 =	vsel vm8, $0x1, v1  }
0xa8: {  	v14 =	vcvt.s32.f32 v16;
	v16 =	vsub.s32 v16, v10;
	v10 =	vmovc v22;
	(xrf0) =	vadd.scan.msk.s32 $0xffff, v9;
	[tilespmem:s20+$0x1010] =	vst v21  }
0xa9: {  	s26 =	sshra.s32 s28, $0x2;
	vm3 =	vmmov vm1;
	vm1 =	vmmov vm8;
	v16 =	vsel vm2, v16, v0;
	[tilespmem:s20+$0x1810] =	vst v23;
	s20 =	smov.u32 s18;
	s18 =	smov.u32 s19  }
0xaa: {  	vm8 =	vmmov vm6;
	vm6 =	vmmov vm7;
	vm2 =	vmmov vm4;
	s19 =	smov.u32 s21;
	s21 =	smov.u32 s22;
	s22 =	smov.u32 s26;
	v22 =	vld [tilespmem:s26+$0x800];
	v17, _, _ =	vpop (xrf0);
	[tilespmem:s20+$0x1000] =	vst v14  }
0xab: {  	v20 =	vadd.s32 v18, v20;
	v14 =	vld [tilespmem:s22+$0x810];
	(v2sf) =	vpush v17, $0xF;
	v23, _, _ =	vpop (xrf0);
	[tilespmem:s20+$0x1800] =	vst v16;
	v18 =	vmov v17  }
.Ltmp5:
0xac: {  	vm7 =	vlt.s32 v20, v6;
	vm4 =	vgt.s32 v13, v5;
	(v2sf) =	vpush v23, $0xF;
	v16, _, _ =	vpop (xrf0);
	(pc) =	sbr.rel @p0 .LBB2_12-.Ltmp5, $4  }
0xad: {  	vm7 =	vmand vm9, vm7;
	v21 =	vsel vm8, $0xFFFFFFFF, v1;
	v13 =	vmovc v15;
	s26 =	spop (v2sf);
	(v2sf) =	vpush v16, $0xF  }
0xae: {  	v20 =	vsel vm5, $0xFFFFFFFF, v1;
	vm4 =	vmor vm4, vm7;
	v24 =	vadd.s32 v21, v19;
	s23 =	sadd.s32 s23, s26;
	s26 =	spop (v2sf);
	v17, _, _ =	vpop (xrf0)  }
0xaf: {  	v19 =	vmovc v23;
	vm10 =	veq.s32 v22, v5;
	v21 =	vadd.s32 s23, v24;
	v15 =	vmovc v22;
	s23 =	sadd.s32 s23, s26;
	(v2sf) =	vpush v17, $0xF;
	s26 =	spop (v2sf)  }
0xb0: {  	v22 =	vsel vm10, $0x1, v1;
	vm7 =	veq.s32 v14, v5;
	v20 =	vadd.s32 s23, v20;
	s25 =	sadd.s32 s25, s26  }
0xb1: {  	_ =	sdelay $0x2  }
0xb2: {  	(xrf0) =	vadd.scan.msk.s32 $0xffff, v22;
	_ =	sdelay $0x1  }
0xb3: {  	v43 =	vsel vm7, $0x1, v1;
	vm9 =	vlt.s32 v21, v6  }
0xb4: {  	v44 =	vsel vm4, $0x1, v1;
	vm11 =	vgt.s32 v8, v5;
	vm5 =	vmmov vm5  }
0xb5: {  	vm10 =	vmmov vm10;
	v18 =	vadd.s32 v18, v20;
	vm8 =	vmand vm8, vm9  }
0xb6: {  	s24 =	spop (v2sf);
	vm12 =	vgt.s32 v13, v5;
	vm9 =	vmor vm11, vm8;
	vm8 =	vmmov vm6  }
0xb7: {  	vm14 =	vgt.s32 v12, v5;
	vm15 =	vlt.s32 v18, v6;
	v46 =	vsel vm8, $0xFFFFFFFF, v1;
	v23, _, _ =	vpop (xrf0);
	(xrf0) =	vadd.scan.msk.s32 $0xffff, v43;
	s26 =	spop (v2sf)  }
0xb8: {  	v48 =	vsel vm10, $0xFFFFFFFF, v1;
	vm5 =	vmand vm5, vm15;
	v47 =	vadd.s32 v46, v19;
	(xrf0) =	vadd.scan.msk.s32 $0xffff, v44;
	s23 =	sadd.s32 s23, s26;
	s28 =	spop (v2sf)  }
0xb9: {  	v45 =	vsel vm9, $0x1, v1;
	vm6 =	vmor vm12, vm5;
	v13 =	vadd.s32 s23, v47;
	s23 =	sadd.s32 s23, s28  }
0xba: {  	v49 =	vsel vm6, $0x1, v1;
	(xrf0) =	vadd.scan.msk.s32 $0xffff, v45;
	v18 =	vadd.s32 s23, v48;
	vm13 =	vlt.s32 v13, v6  }
0xbb: {  	(v2sf) =	vpush v23, $0xF;
	vm5 =	vmand vm8, vm13;
	v50 =	vadd.s32 v23, v18  }
0xbc: {  	vm10 =	vmmov vm10;
	(xrf0) =	vadd.scan.msk.s32 $0xffff, v49;
	vm8 =	vmor vm14, vm5;
	vm15 =	vlt.s32 v50, v6  }
0xbd: {  	vm12 =	vgt.s32 v15, v5;
	v51, _, _ =	vpop (xrf0);
	v52 =	vsel vm8, $0x1, v1;
	vm5 =	vmand vm10, vm15  }
0xbe: {  	(v2sf) =	vpush v51, $0xF;
	v53, _, _ =	vpop (xrf0);
	(xrf0) =	vadd.scan.msk.s32 $0xffff, v52;
	vm5 =	vmor vm12, vm5  }
0xbf: {  	(v2sf) =	vpush v53, $0xF;
	v54 =	vsel vm5, $0x1, v1  }
0xc0: {  	v55, _, _ =	vpop (xrf0);
	(xrf0) =	vadd.scan.msk.s32 $0xffff, v54  }
0xc1: {  	(v2sf) =	vpush v55, $0xF  }
0xc2: {  	v56, _, _ =	vpop (xrf0)  }
0xc3: {  	(v2sf) =	vpush v56, $0xF  }
0xc4: {  	v57, _, _ =	vpop (xrf0)  }
0xc5: {  	(v2sf) =	vpush v57, $0xF  }
0xc6: {  	v24, _, _ =	vpop (xrf0)  }
0xc7: {  	v11 =	vadd.s32 s25, v11;
	vm1 =	vmmov vm1;
	s26 =	spop (v2sf);
	(v2sf) =	vpush v24, $0xF  }
0xc8: {  	s24 =	sadd.s32 s25, s24;
	v7 =	vsub.s32 v11, v7;
	v11 =	vcvt.s32.f32 v11;
	vm13 =	vmmov vm7  }
0xc9: {  	v16 =	vadd.s32 s24, v16;
	v7 =	vsel vm3, v7, v0;
	s28 =	spop (v2sf);
	vm7 =	vmmov vm13  }
0xca: {  	vm3 =	vmmov vm4;
	v10 =	vsub.s32 v16, v10;
	v25 =	vsel vm7, $0xFFFFFFFF, v1;
	s25 =	spop (v2sf)  }
0xcb: {  	[tilespmem:s20+$0x1010] =	vst v11;
	v58 =	vcvt.s32.f32 v16;
	v10 =	vsel vm2, v10, v0;
	v12 =	vadd.s32 v25, v51;
	s23 =	sadd.s32 s23, s25;
	s25 =	sadd.s32 s24, s26  }
0xcc: {  	[tilespmem:s20+$0x1810] =	vst v7;
	vm2 =	vmmov vm9;
	v12 =	vadd.s32 s23, v12;
	v7 =	vadd.s32 s25, v17  }
0xcd: {  	[tilespmem:s18+$0x1000] =	vst v58;
	vm15 =	vgt.s32 v14, v5;
	s26 =	sadd.s32 s25, s28;
	v59 =	vcvt.s32.f32 v7;
	vm14 =	vlt.s32 v12, v6;
	s28 =	spop (v2sf)  }
0xce: {  	[tilespmem:s18+$0x1800] =	vst v10;
	v7 =	vsub.s32 v7, v9;
	v6 =	vadd.s32 s26, v53;
	vm4 =	vmand vm7, vm14;
	s23 =	spop (v2sf)  }
0xcf: {  	v5 =	vsel vm1, v7, v0;
	v7 =	vcvt.s32.f32 v6;
	[tilespmem:s18+$0x1010] =	vst v59;
	vm1 =	vmor vm15, vm4;
	s20 =	sadd.s32 s26, s23  }
0xd0: {  	v6 =	vsub.s32 v6, v44;
	[tilespmem:s18+$0x1810] =	vst v5;
	v60 =	vsel vm1, $0x1, v1;
	s24 =	spop (v2sf);
	v5 =	vadd.s32 s20, v55  }
0xd1: {  	v6 =	vsel vm3, v6, v0;
	[tilespmem:s19+$0x1000] =	vst v7;
	(xrf0) =	vadd.scan.msk.s32 $0xffff, v60;
	s18 =	sadd.s32 s20, s24;
	v7 =	vcvt.s32.f32 v5  }
0xd2: {  	vm2 =	vmmov vm2;
	[tilespmem:s19+$0x1800] =	vst v6;
	s25 =	spop (v2sf);
	v5 =	vsub.s32 v5, v45;
	v6 =	vadd.s32 s18, v56  }
0xd3: {  	s18 =	sadd.s32 s18, s25;
	v5 =	vsel vm2, v5, v0;
	v61 =	vcvt.s32.f32 v6;
	[tilespmem:s19+$0x1010] =	vst v7  }
0xd4: {  	vm2 =	vmmov vm6;
	v6 =	vsub.s32 v6, v49;
	[tilespmem:s19+$0x1810] =	vst v5;
	v5 =	vadd.s32 s18, v57;
	s26 =	spop (v2sf)  }
0xd5: {  	vm3 =	vmmov vm8;
	v6 =	vsel vm2, v6, v0;
	[tilespmem:s21+$0x1000] =	vst v61;
	v7 =	vcvt.s32.f32 v5;
	s18 =	sadd.s32 s18, s26  }
0xd6: {  	vm2 =	vmmov vm3;
	[tilespmem:s21+$0x1800] =	vst v6;
	v5 =	vsub.s32 v5, v52;
	v6 =	vadd.s32 s18, v24;
	s28 =	spop (v2sf)  }
0xd7: {  	v62, _, _ =	vpop (xrf0);
	v5 =	vsel vm2, v5, v0;
	[tilespmem:s21+$0x1010] =	vst v7;
	s18 =	sadd.s32 s18, s28;
	v63 =	vcvt.s32.f32 v6  }
0xd8: {  	vm2 =	vmmov vm5;
	[tilespmem:s21+$0x1810] =	vst v5;
	v6 =	vsub.s32 v6, v54;
	v5 =	vadd.s32 s18, v62  }
0xd9: {  	vm1 =	vmmov vm1;
	v6 =	vsel vm2, v6, v0;
	[tilespmem:s22+$0x1000] =	vst v63;
	v7 =	vcvt.s32.f32 v5  }
0xda: {  	vm1 =	vmmov vm1;
	[tilespmem:s22+$0x1800] =	vst v6;
	v5 =	vsub.s32 v5, v60  }
0xdb: {  	v5 =	vsel vm1, v5, v0;
	[tilespmem:s22+$0x1010] =	vst v7  }
0xdc: {  	[tilespmem:s22+$0x1810] =	vst v5  }
0xdd: {  	v5 =	vld [tilespmem:s6+$0x1800];
	_ =	sdelay $0x4  }
0xde: {  	[tilespmem:$0x2000] =	vst v5  }
0xdf: {  	v5 =	vld [tilespmem:s6+$0x1810];
	_ =	sdelay $0x1  }
0xe0: {  	(v2sf) =	vpush v62, $0xF;
	_ =	sdelay $0x2  }
0xe1: {  	[tilespmem:$0x2010] =	vst v5  }
0xe2: {  	v5 =	vld [tilespmem:s6+$0x1820];
	_ =	sdelay $0x4  }
0xe3: {  	[tilespmem:$0x2020] =	vst v5  }
0xe4: {  	v5 =	vld [tilespmem:s6+$0x1830];
	_ =	sdelay $0x4  }
0xe5: {  	s19 =	spop (v2sf);
	[tilespmem:$0x2030] =	vst v5  }
0xe6: {  	[hbm4b:s7+s2] =	stream.linear.scatter [tilespmem:s8], [sflag:$0x3], $0x40, $0x38;
	[tilespmem:$0x12080] =	vst v63  }
0xe7: {  	_ =	swait.ge [sflag:s14], $0x40  }
0xe8: {  	[sflag:s14] =	ssyncset.done $0x0  }
0xe9: {  	[sflag:s14] =	ssyncadd.s32 $0xFFFFFFC0  }
0xea: {  	_ =	swait.ge [sflag:s16], $0x10000  }
0xeb: {  	[sflag:s16] =	ssyncset.done $0x0  }
0xec: {  	[sflag:s16] =	ssyncadd.s32 $0xFFFF0000  }
0xed: {  	v5 =	vld [tilespmem:$0x2000];
	_ =	sdelay $0x4  }
0xee: {  	v6 =	vshll.u32 v5, $0x3  }
0xef: {  	v5 =	vand.u32 $0x7, v5;
	v6 =	vand.u32 $0xFFFFFFC0, v6  }
0xf0: {  	v5 =	vor.u32 v5, v6  }
0xf1: {  	v6 =	vperm.xlane v5, v2;
	_ =	sdelay $0x1  }
0xf2: {  	v6 =	vadd.s32 v3, v6;
	_ =	sdelay $0x4  }
0xf3: {  	[hbm4b:s4+s2] =	stream.indirect_vreg.scatter [tilespmem:s13], [sflag:$0x1], $0x80, v6, vm0, $0xb8;
	[tilespmem:$0x12080] =	vst v63  }
0xf4: {  	s18 =	simm.s32 $0x2880;
	v5 =	vperm.xlane v5, v4  }
0xf5: {  	[hbm4b:s9+s2] =	stream.indirect_vreg.scatter [tilespmem:s18], [sflag:$0x1], $0x80, v6, vm0, $0xb8;
	[tilespmem:$0x12080] =	vst v63  }
0xf6: {  	s20 =	simm.s32 $0x3080;
	v5 =	vadd.s32 v3, v5  }
0xf7: {  	[hbm4b:s10+s2] =	stream.indirect_vreg.scatter [tilespmem:s20], [sflag:$0x1], $0x80, v6, vm0, $0xb8;
	[tilespmem:$0x12080] =	vst v63  }
0xf8: {  	s21 =	simm.s32 $0x3880  }
0xf9: {  	[hbm4b:s11+s2] =	stream.indirect_vreg.scatter [tilespmem:s21], [sflag:$0x1], $0x80, v6, vm0, $0xb8;
	[tilespmem:$0x12080] =	vst v63  }
0xfa: {  	s22 =	simm.s32 $0x4080  }
0xfb: {  	[hbm4b:s4+s2] =	stream.indirect_vreg.scatter [tilespmem:s22], [sflag:$0x1], $0x80, v5, vm0, $0xb8;
	[tilespmem:$0x12080] =	vst v63  }
0xfc: {  	s23 =	simm.s32 $0x4880  }
0xfd: {  	[hbm4b:s9+s2] =	stream.indirect_vreg.scatter [tilespmem:s23], [sflag:$0x1], $0x80, v5, vm0, $0xb8;
	[tilespmem:$0x12080] =	vst v63  }
0xfe: {  	s24 =	simm.s32 $0x5080  }
0xff: {  	[hbm4b:s10+s2] =	stream.indirect_vreg.scatter [tilespmem:s24], [sflag:$0x1], $0x80, v5, vm0, $0xb8;
	[tilespmem:$0x12080] =	vst v63  }
0x100: {  	s25 =	simm.s32 $0x5880  }
0x101: {  	[hbm4b:s11+s2] =	stream.indirect_vreg.scatter [tilespmem:s25], [sflag:$0x1], $0x80, v5, vm0, $0xb8;
	[tilespmem:$0x12080] =	vst v63  }
0x102: {  	v5 =	vld [tilespmem:$0x2010];
	_ =	sdelay $0x4  }
0x103: {  	v6 =	vshll.u32 v5, $0x3  }
0x104: {  	v5 =	vand.u32 $0x7, v5;
	v6 =	vand.u32 $0xFFFFFFC0, v6  }
0x105: {  	v5 =	vor.u32 v5, v6  }
0x106: {  	v6 =	vperm.xlane v5, v2;
	_ =	sdelay $0x1  }
0x107: {  	v6 =	vadd.s32 v3, v6;
	_ =	sdelay $0x3  }
0x108: {  	s26 =	simm.s32 $0x6080  }
0x109: {  	[hbm4b:s4+s2] =	stream.indirect_vreg.scatter [tilespmem:s26], [sflag:$0x1], $0x80, v6, vm0, $0xb8;
	[tilespmem:$0x12080] =	vst v63  }
0x10a: {  	s28 =	simm.s32 $0x6880;
	v5 =	vperm.xlane v5, v4  }
0x10b: {  	[hbm4b:s9+s2] =	stream.indirect_vreg.scatter [tilespmem:s28], [sflag:$0x1], $0x80, v6, vm0, $0xb8;
	[tilespmem:$0x12080] =	vst v63  }
0x10c: {  	s19 =	simm.s32 $0x7080;
	v5 =	vadd.s32 v3, v5  }
0x10d: {  	[hbm4b:s10+s2] =	stream.indirect_vreg.scatter [tilespmem:s19], [sflag:$0x1], $0x80, v6, vm0, $0xb8;
	[tilespmem:$0x12080] =	vst v63  }
0x10e: {  	s20 =	simm.s32 $0x7880  }
0x10f: {  	[hbm4b:s11+s2] =	stream.indirect_vreg.scatter [tilespmem:s20], [sflag:$0x1], $0x80, v6, vm0, $0xb8;
	[tilespmem:$0x12080] =	vst v63  }
0x110: {  	s21 =	simm.s32 $0x8080  }
0x111: {  	[hbm4b:s4+s2] =	stream.indirect_vreg.scatter [tilespmem:s21], [sflag:$0x1], $0x80, v5, vm0, $0xb8;
	[tilespmem:$0x12080] =	vst v63  }
0x112: {  	s22 =	simm.s32 $0x8880  }
0x113: {  	[hbm4b:s9+s2] =	stream.indirect_vreg.scatter [tilespmem:s22], [sflag:$0x1], $0x80, v5, vm0, $0xb8;
	[tilespmem:$0x12080] =	vst v63  }
0x114: {  	s23 =	simm.s32 $0x9080  }
0x115: {  	[hbm4b:s10+s2] =	stream.indirect_vreg.scatter [tilespmem:s23], [sflag:$0x1], $0x80, v5, vm0, $0xb8;
	[tilespmem:$0x12080] =	vst v63  }
0x116: {  	s24 =	simm.s32 $0x9880  }
0x117: {  	[hbm4b:s11+s2] =	stream.indirect_vreg.scatter [tilespmem:s24], [sflag:$0x1], $0x80, v5, vm0, $0xb8;
	[tilespmem:$0x12080] =	vst v63  }
0x118: {  	v5 =	vld [tilespmem:$0x2020];
	_ =	sdelay $0x4  }
0x119: {  	v6 =	vshll.u32 v5, $0x3  }
0x11a: {  	v5 =	vand.u32 $0x7, v5;
	v6 =	vand.u32 $0xFFFFFFC0, v6  }
0x11b: {  	v5 =	vor.u32 v5, v6  }
0x11c: {  	v6 =	vperm.xlane v5, v2;
	_ =	sdelay $0x1  }
0x11d: {  	v6 =	vadd.s32 v3, v6;
	_ =	sdelay $0x3  }
0x11e: {  	s25 =	simm.s32 $0xA080  }
0x11f: {  	[hbm4b:s4+s2] =	stream.indirect_vreg.scatter [tilespmem:s25], [sflag:$0x1], $0x80, v6, vm0, $0xb8;
	[tilespmem:$0x12080] =	vst v63  }
0x120: {  	s26 =	simm.s32 $0xA880;
	v5 =	vperm.xlane v5, v4  }
0x121: {  	[hbm4b:s9+s2] =	stream.indirect_vreg.scatter [tilespmem:s26], [sflag:$0x1], $0x80, v6, vm0, $0xb8;
	[tilespmem:$0x12080] =	vst v63  }
0x122: {  	s28 =	simm.s32 $0xB080;
	v5 =	vadd.s32 v3, v5  }
0x123: {  	[hbm4b:s10+s2] =	stream.indirect_vreg.scatter [tilespmem:s28], [sflag:$0x1], $0x80, v6, vm0, $0xb8;
	[tilespmem:$0x12080] =	vst v63  }
0x124: {  	s19 =	simm.s32 $0xB880  }
0x125: {  	[hbm4b:s11+s2] =	stream.indirect_vreg.scatter [tilespmem:s19], [sflag:$0x1], $0x80, v6, vm0, $0xb8;
	[tilespmem:$0x12080] =	vst v63  }
0x126: {  	s20 =	simm.s32 $0xC080  }
0x127: {  	[hbm4b:s4+s2] =	stream.indirect_vreg.scatter [tilespmem:s20], [sflag:$0x1], $0x80, v5, vm0, $0xb8;
	[tilespmem:$0x12080] =	vst v63  }
0x128: {  	s21 =	simm.s32 $0xC880  }
0x129: {  	[hbm4b:s9+s2] =	stream.indirect_vreg.scatter [tilespmem:s21], [sflag:$0x1], $0x80, v5, vm0, $0xb8;
	[tilespmem:$0x12080] =	vst v63  }
0x12a: {  	s22 =	simm.s32 $0xD080  }
0x12b: {  	[hbm4b:s10+s2] =	stream.indirect_vreg.scatter [tilespmem:s22], [sflag:$0x1], $0x80, v5, vm0, $0xb8;
	[tilespmem:$0x12080] =	vst v63  }
0x12c: {  	s23 =	simm.s32 $0xD880  }
0x12d: {  	[hbm4b:s11+s2] =	stream.indirect_vreg.scatter [tilespmem:s23], [sflag:$0x1], $0x80, v5, vm0, $0xb8;
	[tilespmem:$0x12080] =	vst v63  }
0x12e: {  	v5 =	vld [tilespmem:$0x2030];
	_ =	sdelay $0x4  }
0x12f: {  	v6 =	vshll.u32 v5, $0x3  }
0x130: {  	v5 =	vand.u32 $0x7, v5;
	v6 =	vand.u32 $0xFFFFFFC0, v6  }
0x131: {  	v5 =	vor.u32 v5, v6  }
0x132: {  	v6 =	vperm.xlane v5, v2;
	_ =	sdelay $0x1  }
0x133: {  	v6 =	vadd.s32 v3, v6;
	_ =	sdelay $0x3  }
0x134: {  	s24 =	simm.s32 $0xE080  }
0x135: {  	[hbm4b:s4+s2] =	stream.indirect_vreg.scatter [tilespmem:s24], [sflag:$0x1], $0x80, v6, vm0, $0xb8;
	[tilespmem:$0x12080] =	vst v63  }
0x136: {  	s25 =	simm.s32 $0xE880;
	v5 =	vperm.xlane v5, v4  }
0x137: {  	[hbm4b:s9+s2] =	stream.indirect_vreg.scatter [tilespmem:s25], [sflag:$0x1], $0x80, v6, vm0, $0xb8;
	[tilespmem:$0x12080] =	vst v63  }
0x138: {  	s26 =	simm.s32 $0xF080;
	v5 =	vadd.s32 v3, v5  }
0x139: {  	[hbm4b:s10+s2] =	stream.indirect_vreg.scatter [tilespmem:s26], [sflag:$0x1], $0x80, v6, vm0, $0xb8;
	[tilespmem:$0x12080] =	vst v63  }
0x13a: {  	s28 =	simm.s32 $0xF880  }
0x13b: {  	[hbm4b:s11+s2] =	stream.indirect_vreg.scatter [tilespmem:s28], [sflag:$0x1], $0x80, v6, vm0, $0xb8;
	[tilespmem:$0x12080] =	vst v63  }
0x13c: {  	_ = 	snop  }
0x13d: {  	[hbm4b:s4+s2] =	stream.indirect_vreg.scatter [tilespmem:s29], [sflag:$0x1], $0x80, v5, vm0, $0xb8;
	[tilespmem:$0x12080] =	vst v63  }
0x13e: {  	s17 =	sadd.s32 $0x1, s17  }
0x13f: {  	[hbm4b:s9+s2] =	stream.indirect_vreg.scatter [tilespmem:s30], [sflag:$0x1], $0x80, v5, vm0, $0xb8;
	[tilespmem:$0x12080] =	vst v63  }
0x140: {  	p0 =	sne.s32 s17, s12  }
0x141: {  	[hbm4b:s10+s2] =	stream.indirect_vreg.scatter [tilespmem:s31], [sflag:$0x1], $0x80, v5, vm0, $0xb8;
	[tilespmem:$0x12080] =	vst v63  }
.Ltmp6:
0x142: {  	_ = 	snop;
	(pc) =	sbr.rel @p0 .LBB2_1-.Ltmp6, $4  }
0x143: {  	[hbm4b:s11+s2] =	stream.indirect_vreg.scatter [tilespmem:s0], [sflag:$0x1], $0x80, v5, vm0, $0xb8;
	[tilespmem:$0x12080] =	vst v63  }
0x144: {  	_ =	swait.ge [sflag:s1], $0x10000  }
0x145: {  	[sflag:s1] =	ssyncset.done $0x0  }
0x146: {  	[sflag:s1] =	ssyncadd.s32 $0xFFFF0000  }
0x147: {  	_ =	sfence.sel $0x180000  }
0x148: {  	[bflag:$0x0] =	sbarrier.arrive $0xFFFF  }
0x149: {  	_ =	strace $0x90000047  }
0x14a: {  	s0 =	stileid.u32;
	[bflag:$0x2] =	sbarrier.arrive $0xFFFF  }
0x14b: {  	p0 =	sne.s32 s0, $0x0;
	s0 =	rddreg [dreg:$0x2]  }
0x14c: {  	s0 =	sadd.s32 @!p0 $0x100000, s0  }
0x14d: {  	[sflag:s0] =	ssyncadd.tile.s32 @!p0 $0x1;
	_ =	shalt  }
.Lfunc_end2:
_tile_overlayer_lowered:
.L_overlay_start_2:
0x14e: {  	(tag) =	ssettag $0x2  }
0x14f: {  	s0 =	rddreg [dreg:$0x0];
	s2 =	stileid.u32  }
0x150: {  	s1 =	rddreg [dreg:$0x1];
	p0 =	sne.s32 s2, $0x0  }
0x151: {  	s3 =	rddreg [dreg:$0x2];
	[bflag:$0x3] =	sbarrier.arrive $0xFFFF;
	s2 =	simm.s32 @!p0 $0x1C03  }
0x152: {  	[timem:s3], [sflag:s2] =	dma.local @!p0 [hbm:s0], s1  }
0x153: {  	s0 =	simm.s32 @!p0 $0x3  }
0x154: {  	_ =	swait.ge @!p0 [sflag:s0], s1  }
0x155: {  	s1 =	ssub.s32 @!p0 $0x0, s1;
	[sflag:s0] =	ssyncset.done @!p0 $0x0  }
0x156: {  	[sflag:s0] =	ssyncadd.s32 @!p0 s1  }
0x157: {  	[bflag:$0x3] =	sbarrier.arrive $0xFFFF  }
0x158: {  	_ =	shalt  }

</sc_bundles>
